<compile_context>
chip_gen: v7x
topology: tpu7x:2x2x1
jax: 0.10.2.dev20260603
libtpu: 0.0.44.dev20260713+nightly
codegen_flags: <defaults>
</compile_context>

<pallas_src>
import functools

import numpy as np
import jax
import jax.numpy as jnp
from jax import lax
from jax.experimental import pallas as pl
from jax.experimental.pallas import tpu as pltpu
from jax.experimental.pallas import tpu_sc as plsc

N = 10000
D = 128
H = 128
C = 10
E = 320000

NC = 2
NS = 16
L = 16
DGW = 8
DH = D // NC

K = 128
E_PAD = 327680
CH = E_PAD // (NS * K)
N_ACC = 10240
RPT = N_ACC // NS

_T64 = [(a // 32) * 32 + (2 * (a % 32) if a % 32 < 16 else 2 * ((a % 32) - 16) + 1)
        for a in range(64)]
_TPERM = np.array(_T64 + [t + 64 for t in _T64], dtype=np.int32)


def _sc_aggregate_body(table_h, src_h, dst_h, ones_h, zdeg_h, acc_out, deg_out,
                       src_v, dst_v, bf0, bf1, f0, f1, zbuf, ones_v,
                       acc_sh, deg_sh, sem0, sem1, ss0, ss1, osem):
  c = lax.axis_index("c")
  s = lax.axis_index("s")
  base = s * RPT
  zero16 = jnp.zeros((L,), jnp.float32)

  def zrow(r, _):
    for jj in range(DH // L):
      zbuf[r, pl.ds(jj * L, L)] = zero16
    return 0
  lax.fori_loop(0, 128, zrow, 0)

  pltpu.sync_copy(ones_h, ones_v)
  pltpu.sync_copy(zdeg_h, deg_sh.at[pl.ds(base, RPT)])
  for kk in range(RPT // 128):
    pltpu.sync_copy(zbuf, acc_sh.at[pl.ds(base + kk * 128, 128)])

  pltpu.sync_copy(src_h.at[c, s], src_v)
  pltpu.sync_copy(dst_h.at[s], dst_v)
  plsc.subcore_barrier()

  def issue(j, buf, sem):
    pltpu.async_copy(table_h.at[src_v.at[j]], buf, sem)

  def wait(buf, sem):
    pltpu.make_async_copy(table_h.at[src_v.at[0]], buf, sem).wait()

  def convert(buf, fbuf):
    def crow(r, _):
      for half in range(2):
        r2 = r * 2 + half
        for g in range(DH // 32):
          v = buf[r2, pl.ds(g * 32, 32)]
          a, b = plsc.unpack(v, format=plsc.PackFormat.INTERLEAVED)
          fbuf[r2, pl.ds(g * 32, L)] = a
          fbuf[r2, pl.ds(g * 32 + L, L)] = b
      return 0
    lax.fori_loop(0, K // 2, crow, 0)

  def scatter(j, fbuf, ssem):
    pltpu.async_copy(ones_v, deg_sh.at[dst_v.at[j]], osem, add=True)
    pltpu.async_copy(fbuf, acc_sh.at[dst_v.at[j]], ssem, add=True)

  def wait_scatter(fbuf, ssem):
    pltpu.make_async_copy(fbuf, acc_sh.at[dst_v.at[0]], ssem).wait()

  issue(0, bf0, sem0)
  issue(1, bf1, sem1)

  def pair(i, _):
    j = i * 2
    wait(bf0, sem0)

    @pl.when(i > 0)
    def _():
      wait_scatter(f0, ss0)

    convert(bf0, f0)

    @pl.when(j + 2 < CH)
    def _():
      issue(j + 2, bf0, sem0)

    scatter(j, f0, ss0)
    wait(bf1, sem1)

    @pl.when(i > 0)
    def _():
      wait_scatter(f1, ss1)

    convert(bf1, f1)

    @pl.when(j + 3 < CH)
    def _():
      issue(j + 3, bf1, sem1)

    scatter(j + 1, f1, ss1)
    return 0
  lax.fori_loop(0, CH // 2, pair, 0)
  wait_scatter(f0, ss0)
  wait_scatter(f1, ss1)

  def drain(i, _):
    pltpu.make_async_copy(ones_v, deg_sh.at[dst_v.at[0]], osem).wait()
    return 0
  lax.fori_loop(0, CH, drain, 0)

  plsc.subcore_barrier()
  pltpu.sync_copy(acc_sh.at[pl.ds(base, RPT)], acc_out.at[c, pl.ds(base, RPT)])
  pltpu.sync_copy(deg_sh.at[pl.ds(base, RPT)], deg_out.at[c, pl.ds(base, RPT)])


_sc_aggregate = pl.kernel(
    _sc_aggregate_body,
    out_type=[
        jax.ShapeDtypeStruct((NC, N_ACC, DH), jnp.float32),
        jax.ShapeDtypeStruct((NC, N_ACC, DGW), jnp.float32),
    ],
    mesh=plsc.VectorSubcoreMesh(
        core_axis_name="c", subcore_axis_name="s", num_cores=NC, num_subcores=NS
    ),
    scratch_types=[
        pltpu.VMEM((CH, K), jnp.int32),
        pltpu.VMEM((CH, K), jnp.int32),
        pltpu.VMEM((K, DH), jnp.bfloat16),
        pltpu.VMEM((K, DH), jnp.bfloat16),
        pltpu.VMEM((K, DH), jnp.float32),
        pltpu.VMEM((K, DH), jnp.float32),
        pltpu.VMEM((128, DH), jnp.float32),
        pltpu.VMEM((K, DGW), jnp.float32),
        pltpu.VMEM_SHARED((N_ACC, DH), jnp.float32),
        pltpu.VMEM_SHARED((N_ACC, DGW), jnp.float32),
        pltpu.SemaphoreType.DMA,
        pltpu.SemaphoreType.DMA,
        pltpu.SemaphoreType.DMA,
        pltpu.SemaphoreType.DMA,
        pltpu.SemaphoreType.DMA,
    ],
    compiler_params=pltpu.CompilerParams(use_tc_tiling_on_sc=False, needs_layout_passes=False),
)


BR = 2000
NG = N // BR


def _tc_layer1_body(x_b, acc_b, deg_b, ws_b, wn_b, b_b, out_b):
  xv = x_b[...]
  accv = acc_b[...]
  x = jnp.concatenate([xv[0], xv[1]], axis=1)
  acc = jnp.concatenate([accv[0], accv[1]], axis=1)
  deg = jnp.maximum(deg_b[0, :, 0:1], 1.0)
  mean = acc / deg
  h = x @ ws_b[...] + mean @ wn_b[...] + b_b[...]
  h = jnp.maximum(h, 0.0)
  out_b[...] = jnp.stack([h[:, :DH], h[:, DH:]]).astype(jnp.bfloat16)


def _tc_layer1(xs, acc, deg, w_self, w_neigh, b):
  return pl.pallas_call(
      _tc_layer1_body,
      grid=(NG,),
      in_specs=[
          pl.BlockSpec((NC, BR, DH), lambda i: (0, i, 0)),
          pl.BlockSpec((NC, BR, DH), lambda i: (0, i, 0)),
          pl.BlockSpec((1, BR, DGW), lambda i: (0, i, 0)),
          pl.BlockSpec((D, H), lambda i: (0, 0)),
          pl.BlockSpec((D, H), lambda i: (0, 0)),
          pl.BlockSpec((1, H), lambda i: (0, 0)),
      ],
      out_specs=pl.BlockSpec((NC, BR, DH), lambda i: (0, i, 0)),
      out_shape=jax.ShapeDtypeStruct((NC, N, DH), jnp.bfloat16),
  )(xs, acc, deg, w_self, w_neigh, b)


def _tc_layer2_body(h_b, acc_b, deg_b, ws_b, wn_b, b_b, wc_b, bc_b, out_b, sum_ref):
  i = pl.program_id(0)
  hv = h_b[...]
  accv = acc_b[...]
  h1 = jnp.concatenate([hv[0], hv[1]], axis=1).astype(jnp.float32)
  acc = jnp.concatenate([accv[0], accv[1]], axis=1)
  deg = jnp.maximum(deg_b[0, :, 0:1], 1.0)
  mean = acc / deg
  h = h1 @ ws_b[...] + mean @ wn_b[...] + b_b[...]
  h = jnp.maximum(h, 0.0)

  @pl.when(i == 0)
  def _():
    sum_ref[...] = jnp.zeros_like(sum_ref)

  sum_ref[...] += jnp.sum(h, axis=0, keepdims=True)

  @pl.when(i == NG - 1)
  def _():
    hg = sum_ref[...] * (1.0 / N)
    out_b[...] = hg @ wc_b[...] + bc_b[...]


def _tc_layer2(h1s, acc, deg, w_self, w_neigh, b, w_cls, b_cls):
  return pl.pallas_call(
      _tc_layer2_body,
      grid=(NG,),
      in_specs=[
          pl.BlockSpec((NC, BR, DH), lambda i: (0, i, 0)),
          pl.BlockSpec((NC, BR, DH), lambda i: (0, i, 0)),
          pl.BlockSpec((1, BR, DGW), lambda i: (0, i, 0)),
          pl.BlockSpec((H, H), lambda i: (0, 0)),
          pl.BlockSpec((H, H), lambda i: (0, 0)),
          pl.BlockSpec((1, H), lambda i: (0, 0)),
          pl.BlockSpec((H, C), lambda i: (0, 0)),
          pl.BlockSpec((1, C), lambda i: (0, 0)),
      ],
      out_specs=pl.BlockSpec((1, C), lambda i: (0, 0)),
      out_shape=jax.ShapeDtypeStruct((1, C), jnp.float32),
      scratch_shapes=[pltpu.VMEM((1, H), jnp.float32)],
  )(h1s, acc, deg, w_self, w_neigh, b, w_cls, b_cls)


@jax.jit
def kernel(x, edge_index, W_self1, W_neigh1, b1, W_self2, W_neigh2, b2, W_cls, b_cls):
  src = edge_index[0]
  dst = edge_index[1]
  pad = E_PAD - E
  src_p = jnp.concatenate([src, jnp.zeros((pad,), jnp.int32)])
  dst_p = jnp.concatenate([dst, jnp.full((pad,), N, jnp.int32)])
  src4 = (src_p[None, :] + (jnp.arange(NC, dtype=jnp.int32) * N)[:, None])
  src4 = src4.reshape(NC, NS, CH, K)
  dst3 = dst_p.reshape(NS, CH, K)

  xs = jnp.stack([x[:, :DH], x[:, DH:]])
  xsb = xs.astype(jnp.bfloat16)
  perm = jnp.asarray(_TPERM)
  ones_h = jnp.ones((K, DGW), jnp.float32)
  zdeg_h = jnp.zeros((RPT, DGW), jnp.float32)
  acc1, deg = _sc_aggregate(xsb.reshape(NC * N, DH), src4, dst3, ones_h, zdeg_h)
  h1s = _tc_layer1(xs, acc1, deg, W_self1, W_neigh1[perm], b1.reshape(1, H))
  acc2, _ = _sc_aggregate(h1s.reshape(NC * N, DH), src4, dst3, ones_h, zdeg_h)
  return _tc_layer2(h1s, acc2, deg, W_self2, W_neigh2[perm], b2.reshape(1, H),
                    W_cls, b_cls.reshape(1, C))

# --- scband reference (transcript-rebuilt; emitter-appended) ---
"""Pipeline reference for scband-classifier-17102559773030 (READ-ONLY COPY).

The authoritative reference and input builder live on the scoring server;
editing this copy changes nothing except your own understanding.
"""

import jax, jax.numpy as jnp
import numpy as np

N = 10000
E = 320000
D = 128
H = 128
C = 10


def setup_inputs(seed: int = 0) -> dict:
    key = jax.random.key(seed)
    ks = jax.random.split(key, 12)
    x = jax.random.normal(ks[0], (N, D), dtype=jnp.float32)
    edge_index = jax.random.randint(ks[1], (2, E), 0, N, dtype=jnp.int32)
    s = 1.0 / np.sqrt(D)
    sh = 1.0 / np.sqrt(H)
    W_self1 = jax.random.normal(ks[2], (D, H), dtype=jnp.float32) * s
    W_neigh1 = jax.random.normal(ks[3], (D, H), dtype=jnp.float32) * s
    b1 = jnp.zeros((H,), dtype=jnp.float32)
    W_self2 = jax.random.normal(ks[4], (H, H), dtype=jnp.float32) * sh
    W_neigh2 = jax.random.normal(ks[5], (H, H), dtype=jnp.float32) * sh
    b2 = jnp.zeros((H,), dtype=jnp.float32)
    W_cls = jax.random.normal(ks[6], (H, C), dtype=jnp.float32) * sh
    b_cls = jnp.zeros((C,), dtype=jnp.float32)
    return {
        "x": x,
        "edge_index": edge_index,
        "W_self1": W_self1,
        "W_neigh1": W_neigh1,
        "b1": b1,
        "W_self2": W_self2,
        "W_neigh2": W_neigh2,
        "b2": b2,
        "W_cls": W_cls,
        "b_cls": b_cls,
    }


def _sage_conv(x, edge_index, W_self, W_neigh, b):
    # DGL SAGEConv with 'mean' aggregator:
    #   h_neigh = fc_neigh(mean_{j in N(i)} h_j)
    #   rst = fc_self(h_i) + h_neigh + bias, then activation (relu)
    src = edge_index[0]
    dst = edge_index[1]
    msg = jnp.take(x, src, axis=0)
    agg = jax.ops.segment_sum(msg, dst, num_segments=N)
    deg = jax.ops.segment_sum(jnp.ones((edge_index.shape[1], 1), dtype=x.dtype), dst, num_segments=N)
    mean_neigh = agg / jnp.clip(deg, 1.0)
    out = x @ W_self + mean_neigh @ W_neigh + b
    return jax.nn.relu(out)


def reference(x, edge_index, W_self1, W_neigh1, b1, W_self2, W_neigh2, b2, W_cls, b_cls):
    h = _sage_conv(x, edge_index, W_self1, W_neigh1, b1)
    h = _sage_conv(h, edge_index, W_self2, W_neigh2, b2)
    # readout == 'mean' -> AvgPooling over all nodes (single graph in batch)
    hg = jnp.mean(h, axis=0, keepdims=True)
    return hg @ W_cls + b_cls

if __name__ == "__main__":
    import jax
    _d = setup_inputs()
    print(jax.jit(kernel)(*tuple(_d.values())))

</pallas_src>

<mosaic_0001>
#map = affine_map<(d0, d1) -> (0, 0)>
#map1 = affine_map<(d0, d1) -> (0, 0, 0, 0)>
#map2 = affine_map<(d0, d1) -> (0, 0, 0)>
module attributes {stable_mosaic.version = 14 : i64} {
  func.func @_sc_aggregate_body(%arg0: i32, %arg1: i32, %arg2: memref<20000x64xbf16, #tpu.memory_space<hbm>>, %arg3: memref<2x16x160x128xi32, #tpu.memory_space<hbm>>, %arg4: memref<16x160x128xi32, #tpu.memory_space<hbm>>, %arg5: memref<128x8xf32, #tpu.memory_space<hbm>>, %arg6: memref<640x8xf32, #tpu.memory_space<hbm>>, %arg7: memref<2x10240x64xf32, #tpu.memory_space<hbm>>, %arg8: memref<2x10240x8xf32, #tpu.memory_space<hbm>>, %arg9: memref<160x128xi32, #tpu.memory_space<vmem>>, %arg10: memref<160x128xi32, #tpu.memory_space<vmem>>, %arg11: memref<128x64xbf16, #tpu.memory_space<vmem>>, %arg12: memref<128x64xbf16, #tpu.memory_space<vmem>>, %arg13: memref<128x64xf32, #tpu.memory_space<vmem>>, %arg14: memref<128x64xf32, #tpu.memory_space<vmem>>, %arg15: memref<128x64xf32, #tpu.memory_space<vmem>>, %arg16: memref<128x8xf32, #tpu.memory_space<vmem>>, %arg17: memref<10240x64xf32, #tpu.memory_space<vmem_shared>>, %arg18: memref<10240x8xf32, #tpu.memory_space<vmem_shared>>, %arg19: memref<!tpu.dma_semaphore, #tpu.memory_space<semaphore_mem>>, %arg20: memref<!tpu.dma_semaphore, #tpu.memory_space<semaphore_mem>>, %arg21: memref<!tpu.dma_semaphore, #tpu.memory_space<semaphore_mem>>, %arg22: memref<!tpu.dma_semaphore, #tpu.memory_space<semaphore_mem>>, %arg23: memref<!tpu.dma_semaphore, #tpu.memory_space<semaphore_mem>>) attributes {dimension_semantics = [#tpu.dimension_semantics<core_parallel>, #tpu.dimension_semantics<subcore_parallel>], iteration_bounds = array<i64: 2, 16>, scalar_prefetch = 0 : i64, scratch_operands = 15 : i64, tpu.core_type = #tpu.core_type<sc_vector_subcore>, window_params = [{transform_indices = #map}, {transform_indices = #map1}, {transform_indices = #map2}, {transform_indices = #map}, {transform_indices = #map}, {transform_indices = #map2}, {transform_indices = #map2}]} {
    %mul3A = arith.constant 640 : i32
    %mul3A_0 = arith.muli %arg1, %mul3A : i32
    %broadcast_in_dim3A = arith.constant 0.000000e+00 : f32
    %broadcast_in_dim3A_1 = vector.broadcast %broadcast_in_dim3A : f32 to vector<16xf32>
    %scan3A = arith.constant 0 : i32
    %scan3A_2 = arith.constant 0 : i32
    %scan3A_3 = arith.constant 128 : i32
    %scan3A_4 = arith.addi %scan3A_2, %scan3A_3 : i32
    %scan3A_5 = arith.constant 1 : i32
    %scan3A_6 = scf.for %scan3A_58 = %scan3A_2 to %scan3A_4 step %scan3A_5 iter_args(%scan3A_59 = %scan3A) -> (i32)  : i32 {
      %swap3A = arith.index_cast %scan3A_58 : i32 to index
      %swap3A_60 = arith.constant 0 : index
      %swap3A_61 = tpu.vector_load %arg15[%swap3A, %swap3A_60] {strides = array<i32>} : memref<128x64xf32, #tpu.memory_space<vmem>>, vector<16xf32>,
      tpu.vector_store %arg15[%swap3A, %swap3A_60], %broadcast_in_dim3A_1 {strides = array<i32>} : memref<128x64xf32, #tpu.memory_space<vmem>>, vector<16xf32>,
      %swap3A_62 = arith.index_cast %scan3A_58 : i32 to index
      %swap3A_63 = arith.constant 16 : index
      %swap3A_64 = tpu.vector_load %arg15[%swap3A_62, %swap3A_63] {strides = array<i32>} : memref<128x64xf32, #tpu.memory_space<vmem>>, vector<16xf32>,
      tpu.vector_store %arg15[%swap3A_62, %swap3A_63], %broadcast_in_dim3A_1 {strides = array<i32>} : memref<128x64xf32, #tpu.memory_space<vmem>>, vector<16xf32>,
      %swap3A_65 = arith.index_cast %scan3A_58 : i32 to index
      %swap3A_66 = arith.constant 32 : index
      %swap3A_67 = tpu.vector_load %arg15[%swap3A_65, %swap3A_66] {strides = array<i32>} : memref<128x64xf32, #tpu.memory_space<vmem>>, vector<16xf32>,
      tpu.vector_store %arg15[%swap3A_65, %swap3A_66], %broadcast_in_dim3A_1 {strides = array<i32>} : memref<128x64xf32, #tpu.memory_space<vmem>>, vector<16xf32>,
      %swap3A_68 = arith.index_cast %scan3A_58 : i32 to index
      %swap3A_69 = arith.constant 48 : index
      %swap3A_70 = tpu.vector_load %arg15[%swap3A_68, %swap3A_69] {strides = array<i32>} : memref<128x64xf32, #tpu.memory_space<vmem>>, vector<16xf32>,
      tpu.vector_store %arg15[%swap3A_68, %swap3A_69], %broadcast_in_dim3A_1 {strides = array<i32>} : memref<128x64xf32, #tpu.memory_space<vmem>>, vector<16xf32>,
      %scan3A_71 = arith.constant 0 : i32
      scf.yield %scan3A_71 : i32
    }
    %scan3A_7 = arith.constant 128 : i32
    "tpu.region"() ({
      %run_scoped3A = tpu.sem_alloc : memref<!tpu.dma_semaphore, #tpu.memory_space<semaphore_mem>>
      tpu.enqueue_dma source(%arg5 : memref<128x8xf32, #tpu.memory_space<hbm>>) target(%arg16 : memref<128x8xf32, #tpu.memory_space<vmem>>) target_semaphore(%run_scoped3A : memref<!tpu.dma_semaphore, #tpu.memory_space<semaphore_mem>>)
      tpu.wait_dma2 semaphore(%run_scoped3A : memref<!tpu.dma_semaphore, #tpu.memory_space<semaphore_mem>>) src(%arg5 : memref<128x8xf32, #tpu.memory_space<hbm>>) dst(%arg16 : memref<128x8xf32, #tpu.memory_space<vmem>>)
      tpu.yield
    }) : () -> ()
    "tpu.region"() ({
      %run_scoped3A = tpu.sem_alloc : memref<!tpu.dma_semaphore, #tpu.memory_space<semaphore_mem>>
      %dma_start3A_58 = arith.constant 0 : i32
      %dma_start3A_59 = tpu.memref_slice %arg18[%mul3A_0, %dma_start3A_58] : memref<10240x8xf32, #tpu.memory_space<vmem_shared>> -> memref<640x8xf32, #tpu.memory_space<vmem_shared>>
      tpu.enqueue_dma source(%arg6 : memref<640x8xf32, #tpu.memory_space<hbm>>) target(%dma_start3A_59 : memref<640x8xf32, #tpu.memory_space<vmem_shared>>) target_semaphore(%run_scoped3A : memref<!tpu.dma_semaphore, #tpu.memory_space<semaphore_mem>>)
      %dma_wait3A_60 = arith.constant 0 : i32
      %dma_wait3A_61 = tpu.memref_slice %arg18[%mul3A_0, %dma_wait3A_60] : memref<10240x8xf32, #tpu.memory_space<vmem_shared>> -> memref<640x8xf32, #tpu.memory_space<vmem_shared>>
      tpu.wait_dma2 semaphore(%run_scoped3A : memref<!tpu.dma_semaphore, #tpu.memory_space<semaphore_mem>>) src(%arg6 : memref<640x8xf32, #tpu.memory_space<hbm>>) dst(%dma_wait3A_61 : memref<640x8xf32, #tpu.memory_space<vmem_shared>>)
      tpu.yield
    }) : () -> ()
    %add3A = arith.constant 0 : i32
    %add3A_8 = arith.addi %mul3A_0, %add3A : i32
    "tpu.region"() ({
      %run_scoped3A = tpu.sem_alloc : memref<!tpu.dma_semaphore, #tpu.memory_space<semaphore_mem>>
      %dma_start3A_58 = arith.constant 0 : i32
      %dma_start3A_59 = tpu.memref_slice %arg17[%add3A_8, %dma_start3A_58] : memref<10240x64xf32, #tpu.memory_space<vmem_shared>> -> memref<128x64xf32, #tpu.memory_space<vmem_shared>>
      %dma_start3A_60 = arith.constant 0 : i32
      %dma_start3A_61 = tpu.memref_slice %arg17[%add3A_8, %dma_start3A_60] : memref<10240x64xf32, #tpu.memory_space<vmem_shared>> -> memref<128x64xf32, #tpu.memory_space<vmem_shared>>
      tpu.enqueue_dma source(%arg15 : memref<128x64xf32, #tpu.memory_space<vmem>>) target(%dma_start3A_61 : memref<128x64xf32, #tpu.memory_space<vmem_shared>>) target_semaphore(%run_scoped3A : memref<!tpu.dma_semaphore, #tpu.memory_space<semaphore_mem>>)
      %dma_wait3A_62 = arith.constant 0 : i32
      %dma_wait3A_63 = tpu.memref_slice %arg17[%add3A_8, %dma_wait3A_62] : memref<10240x64xf32, #tpu.memory_space<vmem_shared>> -> memref<128x64xf32, #tpu.memory_space<vmem_shared>>
      %dma_wait3A_64 = arith.constant 0 : i32
      %dma_wait3A_65 = tpu.memref_slice %arg17[%add3A_8, %dma_wait3A_64] : memref<10240x64xf32, #tpu.memory_space<vmem_shared>> -> memref<128x64xf32, #tpu.memory_space<vmem_shared>>
      tpu.wait_dma2 semaphore(%run_scoped3A : memref<!tpu.dma_semaphore, #tpu.memory_space<semaphore_mem>>) src(%arg15 : memref<128x64xf32, #tpu.memory_space<vmem>>) dst(%dma_wait3A_65 : memref<128x64xf32, #tpu.memory_space<vmem_shared>>)
      tpu.yield
    }) : () -> ()
    %add3A_9 = arith.constant 128 : i32
    %add3A_10 = arith.addi %mul3A_0, %add3A_9 : i32
    "tpu.region"() ({
      %run_scoped3A = tpu.sem_alloc : memref<!tpu.dma_semaphore, #tpu.memory_space<semaphore_mem>>
      %dma_start3A_58 = arith.constant 0 : i32
      %dma_start3A_59 = tpu.memref_slice %arg17[%add3A_10, %dma_start3A_58] : memref<10240x64xf32, #tpu.memory_space<vmem_shared>> -> memref<128x64xf32, #tpu.memory_space<vmem_shared>>
      %dma_start3A_60 = arith.constant 0 : i32
      %dma_start3A_61 = tpu.memref_slice %arg17[%add3A_10, %dma_start3A_60] : memref<10240x64xf32, #tpu.memory_space<vmem_shared>> -> memref<128x64xf32, #tpu.memory_space<vmem_shared>>
      tpu.enqueue_dma source(%arg15 : memref<128x64xf32, #tpu.memory_space<vmem>>) target(%dma_start3A_61 : memref<128x64xf32, #tpu.memory_space<vmem_shared>>) target_semaphore(%run_scoped3A : memref<!tpu.dma_semaphore, #tpu.memory_space<semaphore_mem>>)
      %dma_wait3A_62 = arith.constant 0 : i32
      %dma_wait3A_63 = tpu.memref_slice %arg17[%add3A_10, %dma_wait3A_62] : memref<10240x64xf32, #tpu.memory_space<vmem_shared>> -> memref<128x64xf32, #tpu.memory_space<vmem_shared>>
      %dma_wait3A_64 = arith.constant 0 : i32
      %dma_wait3A_65 = tpu.memref_slice %arg17[%add3A_10, %dma_wait3A_64] : memref<10240x64xf32, #tpu.memory_space<vmem_shared>> -> memref<128x64xf32, #tpu.memory_space<vmem_shared>>
      tpu.wait_dma2 semaphore(%run_scoped3A : memref<!tpu.dma_semaphore, #tpu.memory_space<semaphore_mem>>) src(%arg15 : memref<128x64xf32, #tpu.memory_space<vmem>>) dst(%dma_wait3A_65 : memref<128x64xf32, #tpu.memory_space<vmem_shared>>)
      tpu.yield
    }) : () -> ()
    %add3A_11 = arith.constant 256 : i32
    %add3A_12 = arith.addi %mul3A_0, %add3A_11 : i32
    "tpu.region"() ({
      %run_scoped3A = tpu.sem_alloc : memref<!tpu.dma_semaphore, #tpu.memory_space<semaphore_mem>>
      %dma_start3A_58 = arith.constant 0 : i32
      %dma_start3A_59 = tpu.memref_slice %arg17[%add3A_12, %dma_start3A_58] : memref<10240x64xf32, #tpu.memory_space<vmem_shared>> -> memref<128x64xf32, #tpu.memory_space<vmem_shared>>
      %dma_start3A_60 = arith.constant 0 : i32
      %dma_start3A_61 = tpu.memref_slice %arg17[%add3A_12, %dma_start3A_60] : memref<10240x64xf32, #tpu.memory_space<vmem_shared>> -> memref<128x64xf32, #tpu.memory_space<vmem_shared>>
      tpu.enqueue_dma source(%arg15 : memref<128x64xf32, #tpu.memory_space<vmem>>) target(%dma_start3A_61 : memref<128x64xf32, #tpu.memory_space<vmem_shared>>) target_semaphore(%run_scoped3A : memref<!tpu.dma_semaphore, #tpu.memory_space<semaphore_mem>>)
      %dma_wait3A_62 = arith.constant 0 : i32
      %dma_wait3A_63 = tpu.memref_slice %arg17[%add3A_12, %dma_wait3A_62] : memref<10240x64xf32, #tpu.memory_space<vmem_shared>> -> memref<128x64xf32, #tpu.memory_space<vmem_shared>>
      %dma_wait3A_64 = arith.constant 0 : i32
      %dma_wait3A_65 = tpu.memref_slice %arg17[%add3A_12, %dma_wait3A_64] : memref<10240x64xf32, #tpu.memory_space<vmem_shared>> -> memref<128x64xf32, #tpu.memory_space<vmem_shared>>
      tpu.wait_dma2 semaphore(%run_scoped3A : memref<!tpu.dma_semaphore, #tpu.memory_space<semaphore_mem>>) src(%arg15 : memref<128x64xf32, #tpu.memory_space<vmem>>) dst(%dma_wait3A_65 : memref<128x64xf32, #tpu.memory_space<vmem_shared>>)
      tpu.yield
    }) : () -> ()
    %add3A_13 = arith.constant 384 : i32
    %add3A_14 = arith.addi %mul3A_0, %add3A_13 : i32
    "tpu.region"() ({
      %run_scoped3A = tpu.sem_alloc : memref<!tpu.dma_semaphore, #tpu.memory_space<semaphore_mem>>
      %dma_start3A_58 = arith.constant 0 : i32
      %dma_start3A_59 = tpu.memref_slice %arg17[%add3A_14, %dma_start3A_58] : memref<10240x64xf32, #tpu.memory_space<vmem_shared>> -> memref<128x64xf32, #tpu.memory_space<vmem_shared>>
      %dma_start3A_60 = arith.constant 0 : i32
      %dma_start3A_61 = tpu.memref_slice %arg17[%add3A_14, %dma_start3A_60] : memref<10240x64xf32, #tpu.memory_space<vmem_shared>> -> memref<128x64xf32, #tpu.memory_space<vmem_shared>>
      tpu.enqueue_dma source(%arg15 : memref<128x64xf32, #tpu.memory_space<vmem>>) target(%dma_start3A_61 : memref<128x64xf32, #tpu.memory_space<vmem_shared>>) target_semaphore(%run_scoped3A : memref<!tpu.dma_semaphore, #tpu.memory_space<semaphore_mem>>)
      %dma_wait3A_62 = arith.constant 0 : i32
      %dma_wait3A_63 = tpu.memref_slice %arg17[%add3A_14, %dma_wait3A_62] : memref<10240x64xf32, #tpu.memory_space<vmem_shared>> -> memref<128x64xf32, #tpu.memory_space<vmem_shared>>
      %dma_wait3A_64 = arith.constant 0 : i32
      %dma_wait3A_65 = tpu.memref_slice %arg17[%add3A_14, %dma_wait3A_64] : memref<10240x64xf32, #tpu.memory_space<vmem_shared>> -> memref<128x64xf32, #tpu.memory_space<vmem_shared>>
      tpu.wait_dma2 semaphore(%run_scoped3A : memref<!tpu.dma_semaphore, #tpu.memory_space<semaphore_mem>>) src(%arg15 : memref<128x64xf32, #tpu.memory_space<vmem>>) dst(%dma_wait3A_65 : memref<128x64xf32, #tpu.memory_space<vmem_shared>>)
      tpu.yield
    }) : () -> ()
    %add3A_15 = arith.constant 512 : i32
    %add3A_16 = arith.addi %mul3A_0, %add3A_15 : i32
    "tpu.region"() ({
      %run_scoped3A = tpu.sem_alloc : memref<!tpu.dma_semaphore, #tpu.memory_space<semaphore_mem>>
      %dma_start3A_58 = arith.constant 0 : i32
      %dma_start3A_59 = tpu.memref_slice %arg17[%add3A_16, %dma_start3A_58] : memref<10240x64xf32, #tpu.memory_space<vmem_shared>> -> memref<128x64xf32, #tpu.memory_space<vmem_shared>>
      %dma_start3A_60 = arith.constant 0 : i32
      %dma_start3A_61 = tpu.memref_slice %arg17[%add3A_16, %dma_start3A_60] : memref<10240x64xf32, #tpu.memory_space<vmem_shared>> -> memref<128x64xf32, #tpu.memory_space<vmem_shared>>
      tpu.enqueue_dma source(%arg15 : memref<128x64xf32, #tpu.memory_space<vmem>>) target(%dma_start3A_61 : memref<128x64xf32, #tpu.memory_space<vmem_shared>>) target_semaphore(%run_scoped3A : memref<!tpu.dma_semaphore, #tpu.memory_space<semaphore_mem>>)
      %dma_wait3A_62 = arith.constant 0 : i32
      %dma_wait3A_63 = tpu.memref_slice %arg17[%add3A_16, %dma_wait3A_62] : memref<10240x64xf32, #tpu.memory_space<vmem_shared>> -> memref<128x64xf32, #tpu.memory_space<vmem_shared>>
      %dma_wait3A_64 = arith.constant 0 : i32
      %dma_wait3A_65 = tpu.memref_slice %arg17[%add3A_16, %dma_wait3A_64] : memref<10240x64xf32, #tpu.memory_space<vmem_shared>> -> memref<128x64xf32, #tpu.memory_space<vmem_shared>>
      tpu.wait_dma2 semaphore(%run_scoped3A : memref<!tpu.dma_semaphore, #tpu.memory_space<semaphore_mem>>) src(%arg15 : memref<128x64xf32, #tpu.memory_space<vmem>>) dst(%dma_wait3A_65 : memref<128x64xf32, #tpu.memory_space<vmem_shared>>)
      tpu.yield
    }) : () -> ()
    "tpu.region"() ({
      %run_scoped3A = tpu.sem_alloc : memref<!tpu.dma_semaphore, #tpu.memory_space<semaphore_mem>>
      %dma_start3A_58 = arith.constant 0 : i32
      %dma_start3A_59 = arith.constant 0 : i32
      %dma_start3A_60 = tpu.memref_slice %arg3[%arg0, %arg1, %dma_start3A_58, %dma_start3A_59] : memref<2x16x160x128xi32, #tpu.memory_space<hbm>> -> memref<1x1x160x128xi32, #tpu.memory_space<hbm>>
      %dma_start3A_61 = tpu.memref_squeeze %dma_start3A_60 : memref<1x1x160x128xi32, #tpu.memory_space<hbm>> -> memref<160x128xi32, #tpu.memory_space<hbm>>
      %dma_start3A_62 = arith.constant 0 : i32
      %dma_start3A_63 = arith.constant 0 : i32
      %dma_start3A_64 = tpu.memref_slice %arg3[%arg0, %arg1, %dma_start3A_62, %dma_start3A_63] : memref<2x16x160x128xi32, #tpu.memory_space<hbm>> -> memref<1x1x160x128xi32, #tpu.memory_space<hbm>>
      %dma_start3A_65 = tpu.memref_squeeze %dma_start3A_64 : memref<1x1x160x128xi32, #tpu.memory_space<hbm>> -> memref<160x128xi32, #tpu.memory_space<hbm>>
      tpu.enqueue_dma source(%dma_start3A_65 : memref<160x128xi32, #tpu.memory_space<hbm>>) target(%arg9 : memref<160x128xi32, #tpu.memory_space<vmem>>) target_semaphore(%run_scoped3A : memref<!tpu.dma_semaphore, #tpu.memory_space<semaphore_mem>>)
      %dma_wait3A_66 = arith.constant 0 : i32
      %dma_wait3A_67 = arith.constant 0 : i32
      %dma_wait3A_68 = tpu.memref_slice %arg3[%arg0, %arg1, %dma_wait3A_66, %dma_wait3A_67] : memref<2x16x160x128xi32, #tpu.memory_space<hbm>> -> memref<1x1x160x128xi32, #tpu.memory_space<hbm>>
      %dma_wait3A_69 = tpu.memref_squeeze %dma_wait3A_68 : memref<1x1x160x128xi32, #tpu.memory_space<hbm>> -> memref<160x128xi32, #tpu.memory_space<hbm>>
      %dma_wait3A_70 = arith.constant 0 : i32
      %dma_wait3A_71 = arith.constant 0 : i32
      %dma_wait3A_72 = tpu.memref_slice %arg3[%arg0, %arg1, %dma_wait3A_70, %dma_wait3A_71] : memref<2x16x160x128xi32, #tpu.memory_space<hbm>> -> memref<1x1x160x128xi32, #tpu.memory_space<hbm>>
      %dma_wait3A_73 = tpu.memref_squeeze %dma_wait3A_72 : memref<1x1x160x128xi32, #tpu.memory_space<hbm>> -> memref<160x128xi32, #tpu.memory_space<hbm>>
      tpu.wait_dma2 semaphore(%run_scoped3A : memref<!tpu.dma_semaphore, #tpu.memory_space<semaphore_mem>>) src(%dma_wait3A_73 : memref<160x128xi32, #tpu.memory_space<hbm>>) dst(%arg9 : memref<160x128xi32, #tpu.memory_space<vmem>>)
      tpu.yield
    }) : () -> ()
    "tpu.region"() ({
      %run_scoped3A = tpu.sem_alloc : memref<!tpu.dma_semaphore, #tpu.memory_space<semaphore_mem>>
      %dma_start3A_58 = arith.constant 0 : i32
      %dma_start3A_59 = arith.constant 0 : i32
      %dma_start3A_60 = tpu.memref_slice %arg4[%arg1, %dma_start3A_58, %dma_start3A_59] : memref<16x160x128xi32, #tpu.memory_space<hbm>> -> memref<1x160x128xi32, #tpu.memory_space<hbm>>
      %dma_start3A_61 = tpu.memref_squeeze %dma_start3A_60 : memref<1x160x128xi32, #tpu.memory_space<hbm>> -> memref<160x128xi32, #tpu.memory_space<hbm>>
      %dma_start3A_62 = arith.constant 0 : i32
      %dma_start3A_63 = arith.constant 0 : i32
      %dma_start3A_64 = tpu.memref_slice %arg4[%arg1, %dma_start3A_62, %dma_start3A_63] : memref<16x160x128xi32, #tpu.memory_space<hbm>> -> memref<1x160x128xi32, #tpu.memory_space<hbm>>
      %dma_start3A_65 = tpu.memref_squeeze %dma_start3A_64 : memref<1x160x128xi32, #tpu.memory_space<hbm>> -> memref<160x128xi32, #tpu.memory_space<hbm>>
      tpu.enqueue_dma source(%dma_start3A_65 : memref<160x128xi32, #tpu.memory_space<hbm>>) target(%arg10 : memref<160x128xi32, #tpu.memory_space<vmem>>) target_semaphore(%run_scoped3A : memref<!tpu.dma_semaphore, #tpu.memory_space<semaphore_mem>>)
      %dma_wait3A_66 = arith.constant 0 : i32
      %dma_wait3A_67 = arith.constant 0 : i32
      %dma_wait3A_68 = tpu.memref_slice %arg4[%arg1, %dma_wait3A_66, %dma_wait3A_67] : memref<16x160x128xi32, #tpu.memory_space<hbm>> -> memref<1x160x128xi32, #tpu.memory_space<hbm>>
      %dma_wait3A_69 = tpu.memref_squeeze %dma_wait3A_68 : memref<1x160x128xi32, #tpu.memory_space<hbm>> -> memref<160x128xi32, #tpu.memory_space<hbm>>
      %dma_wait3A_70 = arith.constant 0 : i32
      %dma_wait3A_71 = arith.constant 0 : i32
      %dma_wait3A_72 = tpu.memref_slice %arg4[%arg1, %dma_wait3A_70, %dma_wait3A_71] : memref<16x160x128xi32, #tpu.memory_space<hbm>> -> memref<1x160x128xi32, #tpu.memory_space<hbm>>
      %dma_wait3A_73 = tpu.memref_squeeze %dma_wait3A_72 : memref<1x160x128xi32, #tpu.memory_space<hbm>> -> memref<160x128xi32, #tpu.memory_space<hbm>>
      tpu.wait_dma2 semaphore(%run_scoped3A : memref<!tpu.dma_semaphore, #tpu.memory_space<semaphore_mem>>) src(%dma_wait3A_73 : memref<160x128xi32, #tpu.memory_space<hbm>>) dst(%arg10 : memref<160x128xi32, #tpu.memory_space<vmem>>)
      tpu.yield
    }) : () -> ()
    %barrier3A = arith.constant 0 : index
    tpu.barrier barrier_id(%barrier3A)
    %dma_start3A = arith.constant 0 : i32
    %dma_start3A_17 = arith.constant 0 : i32
    %dma_start3A_18 = tpu.memref_slice %arg9[%dma_start3A, %dma_start3A_17] : memref<160x128xi32, #tpu.memory_space<vmem>> -> memref<1x128xi32, #tpu.memory_space<vmem>>
    %dma_start3A_19 = tpu.memref_squeeze %dma_start3A_18 : memref<1x128xi32, #tpu.memory_space<vmem>> -> memref<128xi32, #tpu.memory_space<vmem>>
    %dma_start3A_20 = arith.constant 0 : i32
    %dma_start3A_21 = arith.constant 0 : i32
    %dma_start3A_22 = tpu.memref_slice %arg2[%dma_start3A_20, %dma_start3A_21] : memref<20000x64xbf16, #tpu.memory_space<hbm>> -> memref<20000x64xbf16, #tpu.memory_space<hbm>>
    tpu.enqueue_indirect_dma source(%dma_start3A_22 : memref<20000x64xbf16, #tpu.memory_space<hbm>>) target(%arg11 : memref<128x64xbf16, #tpu.memory_space<vmem>>) offsets(%dma_start3A_19 : memref<128xi32, #tpu.memory_space<vmem>>) semaphore(%arg19 : memref<!tpu.dma_semaphore, #tpu.memory_space<semaphore_mem>>)
    %dma_start3A_23 = arith.constant 1 : i32
    %dma_start3A_24 = arith.constant 0 : i32
    %dma_start3A_25 = tpu.memref_slice %arg9[%dma_start3A_23, %dma_start3A_24] : memref<160x128xi32, #tpu.memory_space<vmem>> -> memref<1x128xi32, #tpu.memory_space<vmem>>
    %dma_start3A_26 = tpu.memref_squeeze %dma_start3A_25 : memref<1x128xi32, #tpu.memory_space<vmem>> -> memref<128xi32, #tpu.memory_space<vmem>>
    %dma_start3A_27 = arith.constant 0 : i32
    %dma_start3A_28 = arith.constant 0 : i32
    %dma_start3A_29 = tpu.memref_slice %arg2[%dma_start3A_27, %dma_start3A_28] : memref<20000x64xbf16, #tpu.memory_space<hbm>> -> memref<20000x64xbf16, #tpu.memory_space<hbm>>
    tpu.enqueue_indirect_dma source(%dma_start3A_29 : memref<20000x64xbf16, #tpu.memory_space<hbm>>) target(%arg12 : memref<128x64xbf16, #tpu.memory_space<vmem>>) offsets(%dma_start3A_26 : memref<128xi32, #tpu.memory_space<vmem>>) semaphore(%arg20 : memref<!tpu.dma_semaphore, #tpu.memory_space<semaphore_mem>>)
    %scan3A_30 = arith.constant 0 : i32
    %scan3A_31 = arith.constant 0 : i32
    %scan3A_32 = arith.constant 80 : i32
    %scan3A_33 = arith.addi %scan3A_31, %scan3A_32 : i32
    %scan3A_34 = arith.constant 1 : i32
    %scan3A_35 = scf.for %scan3A_58 = %scan3A_31 to %scan3A_33 step %scan3A_34 iter_args(%scan3A_59 = %scan3A_30) -> (i32)  : i32 {
      %mul3A_60 = arith.constant 2 : i32
      %mul3A_61 = arith.muli %scan3A_58, %mul3A_60 : i32
      %dma_wait3A_62 = arith.constant 0 : i32
      %dma_wait3A_63 = arith.constant 0 : i32
      %dma_wait3A_64 = tpu.memref_slice %arg9[%dma_wait3A_62, %dma_wait3A_63] : memref<160x128xi32, #tpu.memory_space<vmem>> -> memref<1x128xi32, #tpu.memory_space<vmem>>
      %dma_wait3A_65 = tpu.memref_squeeze %dma_wait3A_64 : memref<1x128xi32, #tpu.memory_space<vmem>> -> memref<128xi32, #tpu.memory_space<vmem>>
      %dma_wait3A_66 = arith.constant 0 : i32
      %dma_wait3A_67 = arith.constant 0 : i32
      %dma_wait3A_68 = tpu.memref_slice %arg2[%dma_wait3A_66, %dma_wait3A_67] : memref<20000x64xbf16, #tpu.memory_space<hbm>> -> memref<20000x64xbf16, #tpu.memory_space<hbm>>
      tpu.wait_indirect_dma semaphore(%arg19 : memref<!tpu.dma_semaphore, #tpu.memory_space<semaphore_mem>>) src(%dma_wait3A_68 : memref<20000x64xbf16, #tpu.memory_space<hbm>>) dst(%arg11 : memref<128x64xbf16, #tpu.memory_space<vmem>>)
      %gt3A = arith.constant 0 : i32
      %gt3A_69 = arith.cmpi sgt, %scan3A_58, %gt3A : i32
      %convert_element_type3A = arith.extui %gt3A_69 : i1 to i32
      %cond3A = arith.constant 0 : i32
      %cond3A_70 = arith.cmpi ne, %convert_element_type3A, %cond3A : i32
      scf.if %cond3A_70 {
        %dma_wait3A_137 = arith.constant 0 : i32
        %dma_wait3A_138 = arith.constant 0 : i32
        %dma_wait3A_139 = tpu.memref_slice %arg10[%dma_wait3A_137, %dma_wait3A_138] : memref<160x128xi32, #tpu.memory_space<vmem>> -> memref<1x128xi32, #tpu.memory_space<vmem>>
        %dma_wait3A_140 = tpu.memref_squeeze %dma_wait3A_139 : memref<1x128xi32, #tpu.memory_space<vmem>> -> memref<128xi32, #tpu.memory_space<vmem>>
        %dma_wait3A_141 = arith.constant 0 : i32
        %dma_wait3A_142 = arith.constant 0 : i32
        %dma_wait3A_143 = tpu.memref_slice %arg17[%dma_wait3A_141, %dma_wait3A_142] : memref<10240x64xf32, #tpu.memory_space<vmem_shared>> -> memref<10240x64xf32, #tpu.memory_space<vmem_shared>>
        tpu.wait_indirect_dma semaphore(%arg21 : memref<!tpu.dma_semaphore, #tpu.memory_space<semaphore_mem>>) src(%arg13 : memref<128x64xf32, #tpu.memory_space<vmem>>) dst(%dma_wait3A_143 : memref<10240x64xf32, #tpu.memory_space<vmem_shared>>)
      } else {
      }
      %scan3A_71 = arith.constant 0 : i32
      %scan3A_72 = arith.constant 0 : i32
      %scan3A_73 = arith.constant 64 : i32
      %scan3A_74 = arith.addi %scan3A_72, %scan3A_73 : i32
      %scan3A_75 = arith.constant 1 : i32
      %scan3A_76 = scf.for %scan3A_137 = %scan3A_72 to %scan3A_74 step %scan3A_75 iter_args(%scan3A_138 = %scan3A_71) -> (i32)  : i32 {
        %mul3A_139 = arith.constant 2 : i32
        %mul3A_140 = arith.muli %scan3A_137, %mul3A_139 : i32
        %add3A_141 = arith.constant 0 : i32
        %add3A_142 = arith.addi %mul3A_140, %add3A_141 : i32
        %get3A = arith.index_cast %add3A_142 : i32 to index
        %get3A_143 = arith.constant 0 : index
        %get3A_144 = tpu.vector_load %arg11[%get3A, %get3A_143] {strides = array<i32>} : memref<128x64xbf16, #tpu.memory_space<vmem>>, vector<32xbf16>,
        %unpack3A = tpu.unpack_subelements %get3A_144, 0 {pack_format = #tpu.pack_format<interleaved>} : vector<32xbf16> -> vector<16xf32>
        %unpack3A_145 = tpu.unpack_subelements %get3A_144, 1 {pack_format = #tpu.pack_format<interleaved>} : vector<32xbf16> -> vector<16xf32>
        %swap3A = arith.index_cast %add3A_142 : i32 to index
        %swap3A_146 = arith.constant 0 : index
        %swap3A_147 = tpu.vector_load %arg13[%swap3A, %swap3A_146] {strides = array<i32>} : memref<128x64xf32, #tpu.memory_space<vmem>>, vector<16xf32>,
        tpu.vector_store %arg13[%swap3A, %swap3A_146], %unpack3A {strides = array<i32>} : memref<128x64xf32, #tpu.memory_space<vmem>>, vector<16xf32>,
        %swap3A_148 = arith.index_cast %add3A_142 : i32 to index
        %swap3A_149 = arith.constant 16 : index
        %swap3A_150 = tpu.vector_load %arg13[%swap3A_148, %swap3A_149] {strides = array<i32>} : memref<128x64xf32, #tpu.memory_space<vmem>>, vector<16xf32>,
        tpu.vector_store %arg13[%swap3A_148, %swap3A_149], %unpack3A_145 {strides = array<i32>} : memref<128x64xf32, #tpu.memory_space<vmem>>, vector<16xf32>,
        %get3A_151 = arith.index_cast %add3A_142 : i32 to index
        %get3A_152 = arith.constant 32 : index
        %get3A_153 = tpu.vector_load %arg11[%get3A_151, %get3A_152] {strides = array<i32>} : memref<128x64xbf16, #tpu.memory_space<vmem>>, vector<32xbf16>,
        %unpack3A_154 = tpu.unpack_subelements %get3A_153, 0 {pack_format = #tpu.pack_format<interleaved>} : vector<32xbf16> -> vector<16xf32>
        %unpack3A_155 = tpu.unpack_subelements %get3A_153, 1 {pack_format = #tpu.pack_format<interleaved>} : vector<32xbf16> -> vector<16xf32>
        %swap3A_156 = arith.index_cast %add3A_142 : i32 to index
        %swap3A_157 = arith.constant 32 : index
        %swap3A_158 = tpu.vector_load %arg13[%swap3A_156, %swap3A_157] {strides = array<i32>} : memref<128x64xf32, #tpu.memory_space<vmem>>, vector<16xf32>,
        tpu.vector_store %arg13[%swap3A_156, %swap3A_157], %unpack3A_154 {strides = array<i32>} : memref<128x64xf32, #tpu.memory_space<vmem>>, vector<16xf32>,
        %swap3A_159 = arith.index_cast %add3A_142 : i32 to index
        %swap3A_160 = arith.constant 48 : index
        %swap3A_161 = tpu.vector_load %arg13[%swap3A_159, %swap3A_160] {strides = array<i32>} : memref<128x64xf32, #tpu.memory_space<vmem>>, vector<16xf32>,
        tpu.vector_store %arg13[%swap3A_159, %swap3A_160], %unpack3A_155 {strides = array<i32>} : memref<128x64xf32, #tpu.memory_space<vmem>>, vector<16xf32>,
        %mul3A_162 = arith.constant 2 : i32
        %mul3A_163 = arith.muli %scan3A_137, %mul3A_162 : i32
        %add3A_164 = arith.constant 1 : i32
        %add3A_165 = arith.addi %mul3A_163, %add3A_164 : i32
        %get3A_166 = arith.index_cast %add3A_165 : i32 to index
        %get3A_167 = arith.constant 0 : index
        %get3A_168 = tpu.vector_load %arg11[%get3A_166, %get3A_167] {strides = array<i32>} : memref<128x64xbf16, #tpu.memory_space<vmem>>, vector<32xbf16>,
        %unpack3A_169 = tpu.unpack_subelements %get3A_168, 0 {pack_format = #tpu.pack_format<interleaved>} : vector<32xbf16> -> vector<16xf32>
        %unpack3A_170 = tpu.unpack_subelements %get3A_168, 1 {pack_format = #tpu.pack_format<interleaved>} : vector<32xbf16> -> vector<16xf32>
        %swap3A_171 = arith.index_cast %add3A_165 : i32 to index
        %swap3A_172 = arith.constant 0 : index
        %swap3A_173 = tpu.vector_load %arg13[%swap3A_171, %swap3A_172] {strides = array<i32>} : memref<128x64xf32, #tpu.memory_space<vmem>>, vector<16xf32>,
        tpu.vector_store %arg13[%swap3A_171, %swap3A_172], %unpack3A_169 {strides = array<i32>} : memref<128x64xf32, #tpu.memory_space<vmem>>, vector<16xf32>,
        %swap3A_174 = arith.index_cast %add3A_165 : i32 to index
        %swap3A_175 = arith.constant 16 : index
        %swap3A_176 = tpu.vector_load %arg13[%swap3A_174, %swap3A_175] {strides = array<i32>} : memref<128x64xf32, #tpu.memory_space<vmem>>, vector<16xf32>,
        tpu.vector_store %arg13[%swap3A_174, %swap3A_175], %unpack3A_170 {strides = array<i32>} : memref<128x64xf32, #tpu.memory_space<vmem>>, vector<16xf32>,
        %get3A_177 = arith.index_cast %add3A_165 : i32 to index
        %get3A_178 = arith.constant 32 : index
        %get3A_179 = tpu.vector_load %arg11[%get3A_177, %get3A_178] {strides = array<i32>} : memref<128x64xbf16, #tpu.memory_space<vmem>>, vector<32xbf16>,
        %unpack3A_180 = tpu.unpack_subelements %get3A_179, 0 {pack_format = #tpu.pack_format<interleaved>} : vector<32xbf16> -> vector<16xf32>
        %unpack3A_181 = tpu.unpack_subelements %get3A_179, 1 {pack_format = #tpu.pack_format<interleaved>} : vector<32xbf16> -> vector<16xf32>
        %swap3A_182 = arith.index_cast %add3A_165 : i32 to index
        %swap3A_183 = arith.constant 32 : index
        %swap3A_184 = tpu.vector_load %arg13[%swap3A_182, %swap3A_183] {strides = array<i32>} : memref<128x64xf32, #tpu.memory_space<vmem>>, vector<16xf32>,
        tpu.vector_store %arg13[%swap3A_182, %swap3A_183], %unpack3A_180 {strides = array<i32>} : memref<128x64xf32, #tpu.memory_space<vmem>>, vector<16xf32>,
        %swap3A_185 = arith.index_cast %add3A_165 : i32 to index
        %swap3A_186 = arith.constant 48 : index
        %swap3A_187 = tpu.vector_load %arg13[%swap3A_185, %swap3A_186] {strides = array<i32>} : memref<128x64xf32, #tpu.memory_space<vmem>>, vector<16xf32>,
        tpu.vector_store %arg13[%swap3A_185, %swap3A_186], %unpack3A_181 {strides = array<i32>} : memref<128x64xf32, #tpu.memory_space<vmem>>, vector<16xf32>,
        %scan3A_188 = arith.constant 0 : i32
        scf.yield %scan3A_188 : i32
      }
      %scan3A_77 = arith.constant 64 : i32
      %add3A_78 = arith.constant 2 : i32
      %add3A_79 = arith.addi %mul3A_61, %add3A_78 : i32
      %lt3A = arith.constant 160 : i32
      %lt3A_80 = arith.cmpi slt, %add3A_79, %lt3A : i32
      %convert_element_type3A_81 = arith.extui %lt3A_80 : i1 to i32
      %cond3A_82 = arith.constant 0 : i32
      %cond3A_83 = arith.cmpi ne, %convert_element_type3A_81, %cond3A_82 : i32
      scf.if %cond3A_83 {
        %add3A_137 = arith.constant 2 : i32
        %add3A_138 = arith.addi %mul3A_61, %add3A_137 : i32
        %dma_start3A_139 = arith.constant 0 : i32
        %dma_start3A_140 = tpu.memref_slice %arg9[%add3A_138, %dma_start3A_139] : memref<160x128xi32, #tpu.memory_space<vmem>> -> memref<1x128xi32, #tpu.memory_space<vmem>>
        %dma_start3A_141 = tpu.memref_squeeze %dma_start3A_140 : memref<1x128xi32, #tpu.memory_space<vmem>> -> memref<128xi32, #tpu.memory_space<vmem>>
        %dma_start3A_142 = arith.constant 0 : i32
        %dma_start3A_143 = arith.constant 0 : i32
        %dma_start3A_144 = tpu.memref_slice %arg2[%dma_start3A_142, %dma_start3A_143] : memref<20000x64xbf16, #tpu.memory_space<hbm>> -> memref<20000x64xbf16, #tpu.memory_space<hbm>>
        tpu.enqueue_indirect_dma source(%dma_start3A_144 : memref<20000x64xbf16, #tpu.memory_space<hbm>>) target(%arg11 : memref<128x64xbf16, #tpu.memory_space<vmem>>) offsets(%dma_start3A_141 : memref<128xi32, #tpu.memory_space<vmem>>) semaphore(%arg19 : memref<!tpu.dma_semaphore, #tpu.memory_space<semaphore_mem>>)
      } else {
      }
      %dma_start3A_84 = arith.constant 0 : i32
      %dma_start3A_85 = tpu.memref_slice %arg10[%mul3A_61, %dma_start3A_84] : memref<160x128xi32, #tpu.memory_space<vmem>> -> memref<1x128xi32, #tpu.memory_space<vmem>>
      %dma_start3A_86 = tpu.memref_squeeze %dma_start3A_85 : memref<1x128xi32, #tpu.memory_space<vmem>> -> memref<128xi32, #tpu.memory_space<vmem>>
      %dma_start3A_87 = arith.constant 0 : i32
      %dma_start3A_88 = arith.constant 0 : i32
      %dma_start3A_89 = tpu.memref_slice %arg18[%dma_start3A_87, %dma_start3A_88] : memref<10240x8xf32, #tpu.memory_space<vmem_shared>> -> memref<10240x8xf32, #tpu.memory_space<vmem_shared>>
      tpu.enqueue_indirect_dma source(%arg16 : memref<128x8xf32, #tpu.memory_space<vmem>>) target(%dma_start3A_89 : memref<10240x8xf32, #tpu.memory_space<vmem_shared>>) offsets(%dma_start3A_86 : memref<128xi32, #tpu.memory_space<vmem>>) semaphore(%arg23 : memref<!tpu.dma_semaphore, #tpu.memory_space<semaphore_mem>>) {add = true}
      %dma_start3A_90 = arith.constant 0 : i32
      %dma_start3A_91 = tpu.memref_slice %arg10[%mul3A_61, %dma_start3A_90] : memref<160x128xi32, #tpu.memory_space<vmem>> -> memref<1x128xi32, #tpu.memory_space<vmem>>
      %dma_start3A_92 = tpu.memref_squeeze %dma_start3A_91 : memref<1x128xi32, #tpu.memory_space<vmem>> -> memref<128xi32, #tpu.memory_space<vmem>>
      %dma_start3A_93 = arith.constant 0 : i32
      %dma_start3A_94 = arith.constant 0 : i32
      %dma_start3A_95 = tpu.memref_slice %arg17[%dma_start3A_93, %dma_start3A_94] : memref<10240x64xf32, #tpu.memory_space<vmem_shared>> -> memref<10240x64xf32, #tpu.memory_space<vmem_shared>>
      tpu.enqueue_indirect_dma source(%arg13 : memref<128x64xf32, #tpu.memory_space<vmem>>) target(%dma_start3A_95 : memref<10240x64xf32, #tpu.memory_space<vmem_shared>>) offsets(%dma_start3A_92 : memref<128xi32, #tpu.memory_space<vmem>>) semaphore(%arg21 : memref<!tpu.dma_semaphore, #tpu.memory_space<semaphore_mem>>) {add = true}
      %dma_wait3A_96 = arith.constant 0 : i32
      %dma_wait3A_97 = arith.constant 0 : i32
      %dma_wait3A_98 = tpu.memref_slice %arg9[%dma_wait3A_96, %dma_wait3A_97] : memref<160x128xi32, #tpu.memory_space<vmem>> -> memref<1x128xi32, #tpu.memory_space<vmem>>
      %dma_wait3A_99 = tpu.memref_squeeze %dma_wait3A_98 : memref<1x128xi32, #tpu.memory_space<vmem>> -> memref<128xi32, #tpu.memory_space<vmem>>
      %dma_wait3A_100 = arith.constant 0 : i32
      %dma_wait3A_101 = arith.constant 0 : i32
      %dma_wait3A_102 = tpu.memref_slice %arg2[%dma_wait3A_100, %dma_wait3A_101] : memref<20000x64xbf16, #tpu.memory_space<hbm>> -> memref<20000x64xbf16, #tpu.memory_space<hbm>>
      tpu.wait_indirect_dma semaphore(%arg20 : memref<!tpu.dma_semaphore, #tpu.memory_space<semaphore_mem>>) src(%dma_wait3A_102 : memref<20000x64xbf16, #tpu.memory_space<hbm>>) dst(%arg12 : memref<128x64xbf16, #tpu.memory_space<vmem>>)
      %gt3A_103 = arith.constant 0 : i32
      %gt3A_104 = arith.cmpi sgt, %scan3A_58, %gt3A_103 : i32
      %convert_element_type3A_105 = arith.extui %gt3A_104 : i1 to i32
      %cond3A_106 = arith.constant 0 : i32
      %cond3A_107 = arith.cmpi ne, %convert_element_type3A_105, %cond3A_106 : i32
      scf.if %cond3A_107 {
        %dma_wait3A_137 = arith.constant 0 : i32
        %dma_wait3A_138 = arith.constant 0 : i32
        %dma_wait3A_139 = tpu.memref_slice %arg10[%dma_wait3A_137, %dma_wait3A_138] : memref<160x128xi32, #tpu.memory_space<vmem>> -> memref<1x128xi32, #tpu.memory_space<vmem>>
        %dma_wait3A_140 = tpu.memref_squeeze %dma_wait3A_139 : memref<1x128xi32, #tpu.memory_space<vmem>> -> memref<128xi32, #tpu.memory_space<vmem>>
        %dma_wait3A_141 = arith.constant 0 : i32
        %dma_wait3A_142 = arith.constant 0 : i32
        %dma_wait3A_143 = tpu.memref_slice %arg17[%dma_wait3A_141, %dma_wait3A_142] : memref<10240x64xf32, #tpu.memory_space<vmem_shared>> -> memref<10240x64xf32, #tpu.memory_space<vmem_shared>>
        tpu.wait_indirect_dma semaphore(%arg22 : memref<!tpu.dma_semaphore, #tpu.memory_space<semaphore_mem>>) src(%arg14 : memref<128x64xf32, #tpu.memory_space<vmem>>) dst(%dma_wait3A_143 : memref<10240x64xf32, #tpu.memory_space<vmem_shared>>)
      } else {
      }
      %scan3A_108 = arith.constant 0 : i32
      %scan3A_109 = arith.constant 0 : i32
      %scan3A_110 = arith.constant 64 : i32
      %scan3A_111 = arith.addi %scan3A_109, %scan3A_110 : i32
      %scan3A_112 = arith.constant 1 : i32
      %scan3A_113 = scf.for %scan3A_137 = %scan3A_109 to %scan3A_111 step %scan3A_112 iter_args(%scan3A_138 = %scan3A_108) -> (i32)  : i32 {
        %mul3A_139 = arith.constant 2 : i32
        %mul3A_140 = arith.muli %scan3A_137, %mul3A_139 : i32
        %add3A_141 = arith.constant 0 : i32
        %add3A_142 = arith.addi %mul3A_140, %add3A_141 : i32
        %get3A = arith.index_cast %add3A_142 : i32 to index
        %get3A_143 = arith.constant 0 : index
        %get3A_144 = tpu.vector_load %arg12[%get3A, %get3A_143] {strides = array<i32>} : memref<128x64xbf16, #tpu.memory_space<vmem>>, vector<32xbf16>,
        %unpack3A = tpu.unpack_subelements %get3A_144, 0 {pack_format = #tpu.pack_format<interleaved>} : vector<32xbf16> -> vector<16xf32>
        %unpack3A_145 = tpu.unpack_subelements %get3A_144, 1 {pack_format = #tpu.pack_format<interleaved>} : vector<32xbf16> -> vector<16xf32>
        %swap3A = arith.index_cast %add3A_142 : i32 to index
        %swap3A_146 = arith.constant 0 : index
        %swap3A_147 = tpu.vector_load %arg14[%swap3A, %swap3A_146] {strides = array<i32>} : memref<128x64xf32, #tpu.memory_space<vmem>>, vector<16xf32>,
        tpu.vector_store %arg14[%swap3A, %swap3A_146], %unpack3A {strides = array<i32>} : memref<128x64xf32, #tpu.memory_space<vmem>>, vector<16xf32>,
        %swap3A_148 = arith.index_cast %add3A_142 : i32 to index
        %swap3A_149 = arith.constant 16 : index
        %swap3A_150 = tpu.vector_load %arg14[%swap3A_148, %swap3A_149] {strides = array<i32>} : memref<128x64xf32, #tpu.memory_space<vmem>>, vector<16xf32>,
        tpu.vector_store %arg14[%swap3A_148, %swap3A_149], %unpack3A_145 {strides = array<i32>} : memref<128x64xf32, #tpu.memory_space<vmem>>, vector<16xf32>,
        %get3A_151 = arith.index_cast %add3A_142 : i32 to index
        %get3A_152 = arith.constant 32 : index
        %get3A_153 = tpu.vector_load %arg12[%get3A_151, %get3A_152] {strides = array<i32>} : memref<128x64xbf16, #tpu.memory_space<vmem>>, vector<32xbf16>,
        %unpack3A_154 = tpu.unpack_subelements %get3A_153, 0 {pack_format = #tpu.pack_format<interleaved>} : vector<32xbf16> -> vector<16xf32>
        %unpack3A_155 = tpu.unpack_subelements %get3A_153, 1 {pack_format = #tpu.pack_format<interleaved>} : vector<32xbf16> -> vector<16xf32>
        %swap3A_156 = arith.index_cast %add3A_142 : i32 to index
        %swap3A_157 = arith.constant 32 : index
        %swap3A_158 = tpu.vector_load %arg14[%swap3A_156, %swap3A_157] {strides = array<i32>} : memref<128x64xf32, #tpu.memory_space<vmem>>, vector<16xf32>,
        tpu.vector_store %arg14[%swap3A_156, %swap3A_157], %unpack3A_154 {strides = array<i32>} : memref<128x64xf32, #tpu.memory_space<vmem>>, vector<16xf32>,
        %swap3A_159 = arith.index_cast %add3A_142 : i32 to index
        %swap3A_160 = arith.constant 48 : index
        %swap3A_161 = tpu.vector_load %arg14[%swap3A_159, %swap3A_160] {strides = array<i32>} : memref<128x64xf32, #tpu.memory_space<vmem>>, vector<16xf32>,
        tpu.vector_store %arg14[%swap3A_159, %swap3A_160], %unpack3A_155 {strides = array<i32>} : memref<128x64xf32, #tpu.memory_space<vmem>>, vector<16xf32>,
        %mul3A_162 = arith.constant 2 : i32
        %mul3A_163 = arith.muli %scan3A_137, %mul3A_162 : i32
        %add3A_164 = arith.constant 1 : i32
        %add3A_165 = arith.addi %mul3A_163, %add3A_164 : i32
        %get3A_166 = arith.index_cast %add3A_165 : i32 to index
        %get3A_167 = arith.constant 0 : index
        %get3A_168 = tpu.vector_load %arg12[%get3A_166, %get3A_167] {strides = array<i32>} : memref<128x64xbf16, #tpu.memory_space<vmem>>, vector<32xbf16>,
        %unpack3A_169 = tpu.unpack_subelements %get3A_168, 0 {pack_format = #tpu.pack_format<interleaved>} : vector<32xbf16> -> vector<16xf32>
        %unpack3A_170 = tpu.unpack_subelements %get3A_168, 1 {pack_format = #tpu.pack_format<interleaved>} : vector<32xbf16> -> vector<16xf32>
        %swap3A_171 = arith.index_cast %add3A_165 : i32 to index
        %swap3A_172 = arith.constant 0 : index
        %swap3A_173 = tpu.vector_load %arg14[%swap3A_171, %swap3A_172] {strides = array<i32>} : memref<128x64xf32, #tpu.memory_space<vmem>>, vector<16xf32>,
        tpu.vector_store %arg14[%swap3A_171, %swap3A_172], %unpack3A_169 {strides = array<i32>} : memref<128x64xf32, #tpu.memory_space<vmem>>, vector<16xf32>,
        %swap3A_174 = arith.index_cast %add3A_165 : i32 to index
        %swap3A_175 = arith.constant 16 : index
        %swap3A_176 = tpu.vector_load %arg14[%swap3A_174, %swap3A_175] {strides = array<i32>} : memref<128x64xf32, #tpu.memory_space<vmem>>, vector<16xf32>,
        tpu.vector_store %arg14[%swap3A_174, %swap3A_175], %unpack3A_170 {strides = array<i32>} : memref<128x64xf32, #tpu.memory_space<vmem>>, vector<16xf32>,
        %get3A_177 = arith.index_cast %add3A_165 : i32 to index
        %get3A_178 = arith.constant 32 : index
        %get3A_179 = tpu.vector_load %arg12[%get3A_177, %get3A_178] {strides = array<i32>} : memref<128x64xbf16, #tpu.memory_space<vmem>>, vector<32xbf16>,
        %unpack3A_180 = tpu.unpack_subelements %get3A_179, 0 {pack_format = #tpu.pack_format<interleaved>} : vector<32xbf16> -> vector<16xf32>
        %unpack3A_181 = tpu.unpack_subelements %get3A_179, 1 {pack_format = #tpu.pack_format<interleaved>} : vector<32xbf16> -> vector<16xf32>
        %swap3A_182 = arith.index_cast %add3A_165 : i32 to index
        %swap3A_183 = arith.constant 32 : index
        %swap3A_184 = tpu.vector_load %arg14[%swap3A_182, %swap3A_183] {strides = array<i32>} : memref<128x64xf32, #tpu.memory_space<vmem>>, vector<16xf32>,
        tpu.vector_store %arg14[%swap3A_182, %swap3A_183], %unpack3A_180 {strides = array<i32>} : memref<128x64xf32, #tpu.memory_space<vmem>>, vector<16xf32>,
        %swap3A_185 = arith.index_cast %add3A_165 : i32 to index
        %swap3A_186 = arith.constant 48 : index
        %swap3A_187 = tpu.vector_load %arg14[%swap3A_185, %swap3A_186] {strides = array<i32>} : memref<128x64xf32, #tpu.memory_space<vmem>>, vector<16xf32>,
        tpu.vector_store %arg14[%swap3A_185, %swap3A_186], %unpack3A_181 {strides = array<i32>} : memref<128x64xf32, #tpu.memory_space<vmem>>, vector<16xf32>,
        %scan3A_188 = arith.constant 0 : i32
        scf.yield %scan3A_188 : i32
      }
      %scan3A_114 = arith.constant 64 : i32
      %add3A_115 = arith.constant 3 : i32
      %add3A_116 = arith.addi %mul3A_61, %add3A_115 : i32
      %lt3A_117 = arith.constant 160 : i32
      %lt3A_118 = arith.cmpi slt, %add3A_116, %lt3A_117 : i32
      %convert_element_type3A_119 = arith.extui %lt3A_118 : i1 to i32
      %cond3A_120 = arith.constant 0 : i32
      %cond3A_121 = arith.cmpi ne, %convert_element_type3A_119, %cond3A_120 : i32
      scf.if %cond3A_121 {
        %add3A_137 = arith.constant 3 : i32
        %add3A_138 = arith.addi %mul3A_61, %add3A_137 : i32
        %dma_start3A_139 = arith.constant 0 : i32
        %dma_start3A_140 = tpu.memref_slice %arg9[%add3A_138, %dma_start3A_139] : memref<160x128xi32, #tpu.memory_space<vmem>> -> memref<1x128xi32, #tpu.memory_space<vmem>>
        %dma_start3A_141 = tpu.memref_squeeze %dma_start3A_140 : memref<1x128xi32, #tpu.memory_space<vmem>> -> memref<128xi32, #tpu.memory_space<vmem>>
        %dma_start3A_142 = arith.constant 0 : i32
        %dma_start3A_143 = arith.constant 0 : i32
        %dma_start3A_144 = tpu.memref_slice %arg2[%dma_start3A_142, %dma_start3A_143] : memref<20000x64xbf16, #tpu.memory_space<hbm>> -> memref<20000x64xbf16, #tpu.memory_space<hbm>>
        tpu.enqueue_indirect_dma source(%dma_start3A_144 : memref<20000x64xbf16, #tpu.memory_space<hbm>>) target(%arg12 : memref<128x64xbf16, #tpu.memory_space<vmem>>) offsets(%dma_start3A_141 : memref<128xi32, #tpu.memory_space<vmem>>) semaphore(%arg20 : memref<!tpu.dma_semaphore, #tpu.memory_space<semaphore_mem>>)
      } else {
      }
      %add3A_122 = arith.constant 1 : i32
      %add3A_123 = arith.addi %mul3A_61, %add3A_122 : i32
      %dma_start3A_124 = arith.constant 0 : i32
      %dma_start3A_125 = tpu.memref_slice %arg10[%add3A_123, %dma_start3A_124] : memref<160x128xi32, #tpu.memory_space<vmem>> -> memref<1x128xi32, #tpu.memory_space<vmem>>
      %dma_start3A_126 = tpu.memref_squeeze %dma_start3A_125 : memref<1x128xi32, #tpu.memory_space<vmem>> -> memref<128xi32, #tpu.memory_space<vmem>>
      %dma_start3A_127 = arith.constant 0 : i32
      %dma_start3A_128 = arith.constant 0 : i32
      %dma_start3A_129 = tpu.memref_slice %arg18[%dma_start3A_127, %dma_start3A_128] : memref<10240x8xf32, #tpu.memory_space<vmem_shared>> -> memref<10240x8xf32, #tpu.memory_space<vmem_shared>>
      tpu.enqueue_indirect_dma source(%arg16 : memref<128x8xf32, #tpu.memory_space<vmem>>) target(%dma_start3A_129 : memref<10240x8xf32, #tpu.memory_space<vmem_shared>>) offsets(%dma_start3A_126 : memref<128xi32, #tpu.memory_space<vmem>>) semaphore(%arg23 : memref<!tpu.dma_semaphore, #tpu.memory_space<semaphore_mem>>) {add = true}
      %dma_start3A_130 = arith.constant 0 : i32
      %dma_start3A_131 = tpu.memref_slice %arg10[%add3A_123, %dma_start3A_130] : memref<160x128xi32, #tpu.memory_space<vmem>> -> memref<1x128xi32, #tpu.memory_space<vmem>>
      %dma_start3A_132 = tpu.memref_squeeze %dma_start3A_131 : memref<1x128xi32, #tpu.memory_space<vmem>> -> memref<128xi32, #tpu.memory_space<vmem>>
      %dma_start3A_133 = arith.constant 0 : i32
      %dma_start3A_134 = arith.constant 0 : i32
      %dma_start3A_135 = tpu.memref_slice %arg17[%dma_start3A_133, %dma_start3A_134] : memref<10240x64xf32, #tpu.memory_space<vmem_shared>> -> memref<10240x64xf32, #tpu.memory_space<vmem_shared>>
      tpu.enqueue_indirect_dma source(%arg14 : memref<128x64xf32, #tpu.memory_space<vmem>>) target(%dma_start3A_135 : memref<10240x64xf32, #tpu.memory_space<vmem_shared>>) offsets(%dma_start3A_132 : memref<128xi32, #tpu.memory_space<vmem>>) semaphore(%arg22 : memref<!tpu.dma_semaphore, #tpu.memory_space<semaphore_mem>>) {add = true}
      %scan3A_136 = arith.constant 0 : i32
      scf.yield %scan3A_136 : i32
    }
    %scan3A_36 = arith.constant 80 : i32
    %dma_wait3A = arith.constant 0 : i32
    %dma_wait3A_37 = arith.constant 0 : i32
    %dma_wait3A_38 = tpu.memref_slice %arg10[%dma_wait3A, %dma_wait3A_37] : memref<160x128xi32, #tpu.memory_space<vmem>> -> memref<1x128xi32, #tpu.memory_space<vmem>>
    %dma_wait3A_39 = tpu.memref_squeeze %dma_wait3A_38 : memref<1x128xi32, #tpu.memory_space<vmem>> -> memref<128xi32, #tpu.memory_space<vmem>>
    %dma_wait3A_40 = arith.constant 0 : i32
    %dma_wait3A_41 = arith.constant 0 : i32
    %dma_wait3A_42 = tpu.memref_slice %arg17[%dma_wait3A_40, %dma_wait3A_41] : memref<10240x64xf32, #tpu.memory_space<vmem_shared>> -> memref<10240x64xf32, #tpu.memory_space<vmem_shared>>
    tpu.wait_indirect_dma semaphore(%arg21 : memref<!tpu.dma_semaphore, #tpu.memory_space<semaphore_mem>>) src(%arg13 : memref<128x64xf32, #tpu.memory_space<vmem>>) dst(%dma_wait3A_42 : memref<10240x64xf32, #tpu.memory_space<vmem_shared>>)
    %dma_wait3A_43 = arith.constant 0 : i32
    %dma_wait3A_44 = arith.constant 0 : i32
    %dma_wait3A_45 = tpu.memref_slice %arg10[%dma_wait3A_43, %dma_wait3A_44] : memref<160x128xi32, #tpu.memory_space<vmem>> -> memref<1x128xi32, #tpu.memory_space<vmem>>
    %dma_wait3A_46 = tpu.memref_squeeze %dma_wait3A_45 : memref<1x128xi32, #tpu.memory_space<vmem>> -> memref<128xi32, #tpu.memory_space<vmem>>
    %dma_wait3A_47 = arith.constant 0 : i32
    %dma_wait3A_48 = arith.constant 0 : i32
    %dma_wait3A_49 = tpu.memref_slice %arg17[%dma_wait3A_47, %dma_wait3A_48] : memref<10240x64xf32, #tpu.memory_space<vmem_shared>> -> memref<10240x64xf32, #tpu.memory_space<vmem_shared>>
    tpu.wait_indirect_dma semaphore(%arg22 : memref<!tpu.dma_semaphore, #tpu.memory_space<semaphore_mem>>) src(%arg14 : memref<128x64xf32, #tpu.memory_space<vmem>>) dst(%dma_wait3A_49 : memref<10240x64xf32, #tpu.memory_space<vmem_shared>>)
    %scan3A_50 = arith.constant 0 : i32
    %scan3A_51 = arith.constant 0 : i32
    %scan3A_52 = arith.constant 160 : i32
    %scan3A_53 = arith.addi %scan3A_51, %scan3A_52 : i32
    %scan3A_54 = arith.constant 1 : i32
    %scan3A_55 = scf.for %scan3A_58 = %scan3A_51 to %scan3A_53 step %scan3A_54 iter_args(%scan3A_59 = %scan3A_50) -> (i32)  : i32 {
      %dma_wait3A_60 = arith.constant 0 : i32
      %dma_wait3A_61 = arith.constant 0 : i32
      %dma_wait3A_62 = tpu.memref_slice %arg10[%dma_wait3A_60, %dma_wait3A_61] : memref<160x128xi32, #tpu.memory_space<vmem>> -> memref<1x128xi32, #tpu.memory_space<vmem>>
      %dma_wait3A_63 = tpu.memref_squeeze %dma_wait3A_62 : memref<1x128xi32, #tpu.memory_space<vmem>> -> memref<128xi32, #tpu.memory_space<vmem>>
      %dma_wait3A_64 = arith.constant 0 : i32
      %dma_wait3A_65 = arith.constant 0 : i32
      %dma_wait3A_66 = tpu.memref_slice %arg18[%dma_wait3A_64, %dma_wait3A_65] : memref<10240x8xf32, #tpu.memory_space<vmem_shared>> -> memref<10240x8xf32, #tpu.memory_space<vmem_shared>>
      tpu.wait_indirect_dma semaphore(%arg23 : memref<!tpu.dma_semaphore, #tpu.memory_space<semaphore_mem>>) src(%arg16 : memref<128x8xf32, #tpu.memory_space<vmem>>) dst(%dma_wait3A_66 : memref<10240x8xf32, #tpu.memory_space<vmem_shared>>)
      %scan3A_67 = arith.constant 0 : i32
      scf.yield %scan3A_67 : i32
    }
    %scan3A_56 = arith.constant 160 : i32
    %barrier3A_57 = arith.constant 0 : index
    tpu.barrier barrier_id(%barrier3A_57)
    "tpu.region"() ({
      %run_scoped3A = tpu.sem_alloc : memref<!tpu.dma_semaphore, #tpu.memory_space<semaphore_mem>>
      %dma_start3A_58 = arith.constant 0 : i32
      %dma_start3A_59 = tpu.memref_slice %arg7[%arg0, %mul3A_0, %dma_start3A_58] : memref<2x10240x64xf32, #tpu.memory_space<hbm>> -> memref<1x640x64xf32, #tpu.memory_space<hbm>>
      %dma_start3A_60 = tpu.memref_squeeze %dma_start3A_59 : memref<1x640x64xf32, #tpu.memory_space<hbm>> -> memref<640x64xf32, #tpu.memory_space<hbm>>
      %dma_start3A_61 = arith.constant 0 : i32
      %dma_start3A_62 = tpu.memref_slice %arg17[%mul3A_0, %dma_start3A_61] : memref<10240x64xf32, #tpu.memory_space<vmem_shared>> -> memref<640x64xf32, #tpu.memory_space<vmem_shared>>
      tpu.enqueue_dma source(%dma_start3A_62 : memref<640x64xf32, #tpu.memory_space<vmem_shared>>) target(%dma_start3A_60 : memref<640x64xf32, #tpu.memory_space<hbm>>) target_semaphore(%run_scoped3A : memref<!tpu.dma_semaphore, #tpu.memory_space<semaphore_mem>>)
      %dma_wait3A_63 = arith.constant 0 : i32
      %dma_wait3A_64 = tpu.memref_slice %arg7[%arg0, %mul3A_0, %dma_wait3A_63] : memref<2x10240x64xf32, #tpu.memory_space<hbm>> -> memref<1x640x64xf32, #tpu.memory_space<hbm>>
      %dma_wait3A_65 = tpu.memref_squeeze %dma_wait3A_64 : memref<1x640x64xf32, #tpu.memory_space<hbm>> -> memref<640x64xf32, #tpu.memory_space<hbm>>
      %dma_wait3A_66 = arith.constant 0 : i32
      %dma_wait3A_67 = tpu.memref_slice %arg17[%mul3A_0, %dma_wait3A_66] : memref<10240x64xf32, #tpu.memory_space<vmem_shared>> -> memref<640x64xf32, #tpu.memory_space<vmem_shared>>
      tpu.wait_dma2 semaphore(%run_scoped3A : memref<!tpu.dma_semaphore, #tpu.memory_space<semaphore_mem>>) src(%dma_wait3A_67 : memref<640x64xf32, #tpu.memory_space<vmem_shared>>) dst(%dma_wait3A_65 : memref<640x64xf32, #tpu.memory_space<hbm>>)
      tpu.yield
    }) : () -> ()
    "tpu.region"() ({
      %run_scoped3A = tpu.sem_alloc : memref<!tpu.dma_semaphore, #tpu.memory_space<semaphore_mem>>
      %dma_start3A_58 = arith.constant 0 : i32
      %dma_start3A_59 = tpu.memref_slice %arg8[%arg0, %mul3A_0, %dma_start3A_58] : memref<2x10240x8xf32, #tpu.memory_space<hbm>> -> memref<1x640x8xf32, #tpu.memory_space<hbm>>
      %dma_start3A_60 = tpu.memref_squeeze %dma_start3A_59 : memref<1x640x8xf32, #tpu.memory_space<hbm>> -> memref<640x8xf32, #tpu.memory_space<hbm>>
      %dma_start3A_61 = arith.constant 0 : i32
      %dma_start3A_62 = tpu.memref_slice %arg18[%mul3A_0, %dma_start3A_61] : memref<10240x8xf32, #tpu.memory_space<vmem_shared>> -> memref<640x8xf32, #tpu.memory_space<vmem_shared>>
      tpu.enqueue_dma source(%dma_start3A_62 : memref<640x8xf32, #tpu.memory_space<vmem_shared>>) target(%dma_start3A_60 : memref<640x8xf32, #tpu.memory_space<hbm>>) target_semaphore(%run_scoped3A : memref<!tpu.dma_semaphore, #tpu.memory_space<semaphore_mem>>)
      %dma_wait3A_63 = arith.constant 0 : i32
      %dma_wait3A_64 = tpu.memref_slice %arg8[%arg0, %mul3A_0, %dma_wait3A_63] : memref<2x10240x8xf32, #tpu.memory_space<hbm>> -> memref<1x640x8xf32, #tpu.memory_space<hbm>>
      %dma_wait3A_65 = tpu.memref_squeeze %dma_wait3A_64 : memref<1x640x8xf32, #tpu.memory_space<hbm>> -> memref<640x8xf32, #tpu.memory_space<hbm>>
      %dma_wait3A_66 = arith.constant 0 : i32
      %dma_wait3A_67 = tpu.memref_slice %arg18[%mul3A_0, %dma_wait3A_66] : memref<10240x8xf32, #tpu.memory_space<vmem_shared>> -> memref<640x8xf32, #tpu.memory_space<vmem_shared>>
      tpu.wait_dma2 semaphore(%run_scoped3A : memref<!tpu.dma_semaphore, #tpu.memory_space<semaphore_mem>>) src(%dma_wait3A_67 : memref<640x8xf32, #tpu.memory_space<vmem_shared>>) dst(%dma_wait3A_65 : memref<640x8xf32, #tpu.memory_space<hbm>>)
      tpu.yield
    }) : () -> ()
    return
  }
}

#map = affine_map<(d0, d1) -> (0, 0)>
#map1 = affine_map<(d0, d1) -> (0, 0, 0, 0)>
#map2 = affine_map<(d0, d1) -> (0, 0, 0)>
module attributes {stable_mosaic.version = 14 : i64} {
  func.func @_sc_aggregate_body(%arg0: i32, %arg1: i32, %arg2: memref<20000x64xbf16, #tpu.memory_space<hbm>>, %arg3: memref<2x16x160x128xi32, #tpu.memory_space<hbm>>, %arg4: memref<16x160x128xi32, #tpu.memory_space<hbm>>, %arg5: memref<128x8xf32, #tpu.memory_space<hbm>>, %arg6: memref<640x8xf32, #tpu.memory_space<hbm>>, %arg7: memref<2x10240x64xf32, #tpu.memory_space<hbm>>, %arg8: memref<2x10240x8xf32, #tpu.memory_space<hbm>>, %arg9: memref<160x128xi32, #tpu.memory_space<vmem>>, %arg10: memref<160x128xi32, #tpu.memory_space<vmem>>, %arg11: memref<128x64xbf16, #tpu.memory_space<vmem>>, %arg12: memref<128x64xbf16, #tpu.memory_space<vmem>>, %arg13: memref<128x64xf32, #tpu.memory_space<vmem>>, %arg14: memref<128x64xf32, #tpu.memory_space<vmem>>, %arg15: memref<128x64xf32, #tpu.memory_space<vmem>>, %arg16: memref<128x8xf32, #tpu.memory_space<vmem>>, %arg17: memref<10240x64xf32, #tpu.memory_space<vmem_shared>>, %arg18: memref<10240x8xf32, #tpu.memory_space<vmem_shared>>, %arg19: memref<!tpu.dma_semaphore, #tpu.memory_space<semaphore_mem>>, %arg20: memref<!tpu.dma_semaphore, #tpu.memory_space<semaphore_mem>>, %arg21: memref<!tpu.dma_semaphore, #tpu.memory_space<semaphore_mem>>, %arg22: memref<!tpu.dma_semaphore, #tpu.memory_space<semaphore_mem>>, %arg23: memref<!tpu.dma_semaphore, #tpu.memory_space<semaphore_mem>>) attributes {dimension_semantics = [#tpu.dimension_semantics<core_parallel>, #tpu.dimension_semantics<subcore_parallel>], iteration_bounds = array<i64: 2, 16>, scalar_prefetch = 0 : i64, scratch_operands = 15 : i64, tpu.core_type = #tpu.core_type<sc_vector_subcore>, window_params = [{transform_indices = #map}, {transform_indices = #map1}, {transform_indices = #map2}, {transform_indices = #map}, {transform_indices = #map}, {transform_indices = #map2}, {transform_indices = #map2}]} {
    %mul3A = arith.constant 640 : i32
    %mul3A_0 = arith.muli %arg1, %mul3A : i32
    %broadcast_in_dim3A = arith.constant 0.000000e+00 : f32
    %broadcast_in_dim3A_1 = vector.broadcast %broadcast_in_dim3A : f32 to vector<16xf32>
    %scan3A = arith.constant 0 : i32
    %scan3A_2 = arith.constant 0 : i32
    %scan3A_3 = arith.constant 128 : i32
    %scan3A_4 = arith.addi %scan3A_2, %scan3A_3 : i32
    %scan3A_5 = arith.constant 1 : i32
    %scan3A_6 = scf.for %scan3A_58 = %scan3A_2 to %scan3A_4 step %scan3A_5 iter_args(%scan3A_59 = %scan3A) -> (i32)  : i32 {
      %swap3A = arith.index_cast %scan3A_58 : i32 to index
      %swap3A_60 = arith.constant 0 : index
      %swap3A_61 = tpu.vector_load %arg15[%swap3A, %swap3A_60] {strides = array<i32>} : memref<128x64xf32, #tpu.memory_space<vmem>>, vector<16xf32>,
      tpu.vector_store %arg15[%swap3A, %swap3A_60], %broadcast_in_dim3A_1 {strides = array<i32>} : memref<128x64xf32, #tpu.memory_space<vmem>>, vector<16xf32>,
      %swap3A_62 = arith.index_cast %scan3A_58 : i32 to index
      %swap3A_63 = arith.constant 16 : index
      %swap3A_64 = tpu.vector_load %arg15[%swap3A_62, %swap3A_63] {strides = array<i32>} : memref<128x64xf32, #tpu.memory_space<vmem>>, vector<16xf32>,
      tpu.vector_store %arg15[%swap3A_62, %swap3A_63], %broadcast_in_dim3A_1 {strides = array<i32>} : memref<128x64xf32, #tpu.memory_space<vmem>>, vector<16xf32>,
      %swap3A_65 = arith.index_cast %scan3A_58 : i32 to index
      %swap3A_66 = arith.constant 32 : index
      %swap3A_67 = tpu.vector_load %arg15[%swap3A_65, %swap3A_66] {strides = array<i32>} : memref<128x64xf32, #tpu.memory_space<vmem>>, vector<16xf32>,
      tpu.vector_store %arg15[%swap3A_65, %swap3A_66], %broadcast_in_dim3A_1 {strides = array<i32>} : memref<128x64xf32, #tpu.memory_space<vmem>>, vector<16xf32>,
      %swap3A_68 = arith.index_cast %scan3A_58 : i32 to index
      %swap3A_69 = arith.constant 48 : index
      %swap3A_70 = tpu.vector_load %arg15[%swap3A_68, %swap3A_69] {strides = array<i32>} : memref<128x64xf32, #tpu.memory_space<vmem>>, vector<16xf32>,
      tpu.vector_store %arg15[%swap3A_68, %swap3A_69], %broadcast_in_dim3A_1 {strides = array<i32>} : memref<128x64xf32, #tpu.memory_space<vmem>>, vector<16xf32>,
      %scan3A_71 = arith.constant 0 : i32
      scf.yield %scan3A_71 : i32
    }
    %scan3A_7 = arith.constant 128 : i32
    "tpu.region"() ({
      %run_scoped3A = tpu.sem_alloc : memref<!tpu.dma_semaphore, #tpu.memory_space<semaphore_mem>>
      tpu.enqueue_dma source(%arg5 : memref<128x8xf32, #tpu.memory_space<hbm>>) target(%arg16 : memref<128x8xf32, #tpu.memory_space<vmem>>) target_semaphore(%run_scoped3A : memref<!tpu.dma_semaphore, #tpu.memory_space<semaphore_mem>>)
      tpu.wait_dma2 semaphore(%run_scoped3A : memref<!tpu.dma_semaphore, #tpu.memory_space<semaphore_mem>>) src(%arg5 : memref<128x8xf32, #tpu.memory_space<hbm>>) dst(%arg16 : memref<128x8xf32, #tpu.memory_space<vmem>>)
      tpu.yield
    }) : () -> ()
    "tpu.region"() ({
      %run_scoped3A = tpu.sem_alloc : memref<!tpu.dma_semaphore, #tpu.memory_space<semaphore_mem>>
      %dma_start3A_58 = arith.constant 0 : i32
      %dma_start3A_59 = tpu.memref_slice %arg18[%mul3A_0, %dma_start3A_58] : memref<10240x8xf32, #tpu.memory_space<vmem_shared>> -> memref<640x8xf32, #tpu.memory_space<vmem_shared>>
      tpu.enqueue_dma source(%arg6 : memref<640x8xf32, #tpu.memory_space<hbm>>) target(%dma_start3A_59 : memref<640x8xf32, #tpu.memory_space<vmem_shared>>) target_semaphore(%run_scoped3A : memref<!tpu.dma_semaphore, #tpu.memory_space<semaphore_mem>>)
      %dma_wait3A_60 = arith.constant 0 : i32
      %dma_wait3A_61 = tpu.memref_slice %arg18[%mul3A_0, %dma_wait3A_60] : memref<10240x8xf32, #tpu.memory_space<vmem_shared>> -> memref<640x8xf32, #tpu.memory_space<vmem_shared>>
      tpu.wait_dma2 semaphore(%run_scoped3A : memref<!tpu.dma_semaphore, #tpu.memory_space<semaphore_mem>>) src(%arg6 : memref<640x8xf32, #tpu.memory_space<hbm>>) dst(%dma_wait3A_61 : memref<640x8xf32, #tpu.memory_space<vmem_shared>>)
      tpu.yield
    }) : () -> ()
    %add3A = arith.constant 0 : i32
    %add3A_8 = arith.addi %mul3A_0, %add3A : i32
    "tpu.region"() ({
      %run_scoped3A = tpu.sem_alloc : memref<!tpu.dma_semaphore, #tpu.memory_space<semaphore_mem>>
      %dma_start3A_58 = arith.constant 0 : i32
      %dma_start3A_59 = tpu.memref_slice %arg17[%add3A_8, %dma_start3A_58] : memref<10240x64xf32, #tpu.memory_space<vmem_shared>> -> memref<128x64xf32, #tpu.memory_space<vmem_shared>>
      %dma_start3A_60 = arith.constant 0 : i32
      %dma_start3A_61 = tpu.memref_slice %arg17[%add3A_8, %dma_start3A_60] : memref<10240x64xf32, #tpu.memory_space<vmem_shared>> -> memref<128x64xf32, #tpu.memory_space<vmem_shared>>
      tpu.enqueue_dma source(%arg15 : memref<128x64xf32, #tpu.memory_space<vmem>>) target(%dma_start3A_61 : memref<128x64xf32, #tpu.memory_space<vmem_shared>>) target_semaphore(%run_scoped3A : memref<!tpu.dma_semaphore, #tpu.memory_space<semaphore_mem>>)
      %dma_wait3A_62 = arith.constant 0 : i32
      %dma_wait3A_63 = tpu.memref_slice %arg17[%add3A_8, %dma_wait3A_62] : memref<10240x64xf32, #tpu.memory_space<vmem_shared>> -> memref<128x64xf32, #tpu.memory_space<vmem_shared>>
      %dma_wait3A_64 = arith.constant 0 : i32
      %dma_wait3A_65 = tpu.memref_slice %arg17[%add3A_8, %dma_wait3A_64] : memref<10240x64xf32, #tpu.memory_space<vmem_shared>> -> memref<128x64xf32, #tpu.memory_space<vmem_shared>>
      tpu.wait_dma2 semaphore(%run_scoped3A : memref<!tpu.dma_semaphore, #tpu.memory_space<semaphore_mem>>) src(%arg15 : memref<128x64xf32, #tpu.memory_space<vmem>>) dst(%dma_wait3A_65 : memref<128x64xf32, #tpu.memory_space<vmem_shared>>)
      tpu.yield
    }) : () -> ()
    %add3A_9 = arith.constant 128 : i32
    %add3A_10 = arith.addi %mul3A_0, %add3A_9 : i32
    "tpu.region"() ({
      %run_scoped3A = tpu.sem_alloc : memref<!tpu.dma_semaphore, #tpu.memory_space<semaphore_mem>>
      %dma_start3A_58 = arith.constant 0 : i32
      %dma_start3A_59 = tpu.memref_slice %arg17[%add3A_10, %dma_start3A_58] : memref<10240x64xf32, #tpu.memory_space<vmem_shared>> -> memref<128x64xf32, #tpu.memory_space<vmem_shared>>
      %dma_start3A_60 = arith.constant 0 : i32
      %dma_start3A_61 = tpu.memref_slice %arg17[%add3A_10, %dma_start3A_60] : memref<10240x64xf32, #tpu.memory_space<vmem_shared>> -> memref<128x64xf32, #tpu.memory_space<vmem_shared>>
      tpu.enqueue_dma source(%arg15 : memref<128x64xf32, #tpu.memory_space<vmem>>) target(%dma_start3A_61 : memref<128x64xf32, #tpu.memory_space<vmem_shared>>) target_semaphore(%run_scoped3A : memref<!tpu.dma_semaphore, #tpu.memory_space<semaphore_mem>>)
      %dma_wait3A_62 = arith.constant 0 : i32
      %dma_wait3A_63 = tpu.memref_slice %arg17[%add3A_10, %dma_wait3A_62] : memref<10240x64xf32, #tpu.memory_space<vmem_shared>> -> memref<128x64xf32, #tpu.memory_space<vmem_shared>>
      %dma_wait3A_64 = arith.constant 0 : i32
      %dma_wait3A_65 = tpu.memref_slice %arg17[%add3A_10, %dma_wait3A_64] : memref<10240x64xf32, #tpu.memory_space<vmem_shared>> -> memref<128x64xf32, #tpu.memory_space<vmem_shared>>
      tpu.wait_dma2 semaphore(%run_scoped3A : memref<!tpu.dma_semaphore, #tpu.memory_space<semaphore_mem>>) src(%arg15 : memref<128x64xf32, #tpu.memory_space<vmem>>) dst(%dma_wait3A_65 : memref<128x64xf32, #tpu.memory_space<vmem_shared>>)
      tpu.yield
    }) : () -> ()
    %add3A_11 = arith.constant 256 : i32
    %add3A_12 = arith.addi %mul3A_0, %add3A_11 : i32
    "tpu.region"() ({
      %run_scoped3A = tpu.sem_alloc : memref<!tpu.dma_semaphore, #tpu.memory_space<semaphore_mem>>
      %dma_start3A_58 = arith.constant 0 : i32
      %dma_start3A_59 = tpu.memref_slice %arg17[%add3A_12, %dma_start3A_58] : memref<10240x64xf32, #tpu.memory_space<vmem_shared>> -> memref<128x64xf32, #tpu.memory_space<vmem_shared>>
      %dma_start3A_60 = arith.constant 0 : i32
      %dma_start3A_61 = tpu.memref_slice %arg17[%add3A_12, %dma_start3A_60] : memref<10240x64xf32, #tpu.memory_space<vmem_shared>> -> memref<128x64xf32, #tpu.memory_space<vmem_shared>>
      tpu.enqueue_dma source(%arg15 : memref<128x64xf32, #tpu.memory_space<vmem>>) target(%dma_start3A_61 : memref<128x64xf32, #tpu.memory_space<vmem_shared>>) target_semaphore(%run_scoped3A : memref<!tpu.dma_semaphore, #tpu.memory_space<semaphore_mem>>)
      %dma_wait3A_62 = arith.constant 0 : i32
      %dma_wait3A_63 = tpu.memref_slice %arg17[%add3A_12, %dma_wait3A_62] : memref<10240x64xf32, #tpu.memory_space<vmem_shared>> -> memref<128x64xf32, #tpu.memory_space<vmem_shared>>
      %dma_wait3A_64 = arith.constant 0 : i32
      %dma_wait3A_65 = tpu.memref_slice %arg17[%add3A_12, %dma_wait3A_64] : memref<10240x64xf32, #tpu.memory_space<vmem_shared>> -> memref<128x64xf32, #tpu.memory_space<vmem_shared>>
      tpu.wait_dma2 semaphore(%run_scoped3A : memref<!tpu.dma_semaphore, #tpu.memory_space<semaphore_mem>>) src(%arg15 : memref<128x64xf32, #tpu.memory_space<vmem>>) dst(%dma_wait3A_65 : memref<128x64xf32, #tpu.memory_space<vmem_shared>>)
      tpu.yield
    }) : () -> ()
    %add3A_13 = arith.constant 384 : i32
    %add3A_14 = arith.addi %mul3A_0, %add3A_13 : i32
    "tpu.region"() ({
      %run_scoped3A = tpu.sem_alloc : memref<!tpu.dma_semaphore, #tpu.memory_space<semaphore_mem>>
      %dma_start3A_58 = arith.constant 0 : i32
      %dma_start3A_59 = tpu.memref_slice %arg17[%add3A_14, %dma_start3A_58] : memref<10240x64xf32, #tpu.memory_space<vmem_shared>> -> memref<128x64xf32, #tpu.memory_space<vmem_shared>>
      %dma_start3A_60 = arith.constant 0 : i32
      %dma_start3A_61 = tpu.memref_slice %arg17[%add3A_14, %dma_start3A_60] : memref<10240x64xf32, #tpu.memory_space<vmem_shared>> -> memref<128x64xf32, #tpu.memory_space<vmem_shared>>
      tpu.enqueue_dma source(%arg15 : memref<128x64xf32, #tpu.memory_space<vmem>>) target(%dma_start3A_61 : memref<128x64xf32, #tpu.memory_space<vmem_shared>>) target_semaphore(%run_scoped3A : memref<!tpu.dma_semaphore, #tpu.memory_space<semaphore_mem>>)
      %dma_wait3A_62 = arith.constant 0 : i32
      %dma_wait3A_63 = tpu.memref_slice %arg17[%add3A_14, %dma_wait3A_62] : memref<10240x64xf32, #tpu.memory_space<vmem_shared>> -> memref<128x64xf32, #tpu.memory_space<vmem_shared>>
      %dma_wait3A_64 = arith.constant 0 : i32
      %dma_wait3A_65 = tpu.memref_slice %arg17[%add3A_14, %dma_wait3A_64] : memref<10240x64xf32, #tpu.memory_space<vmem_shared>> -> memref<128x64xf32, #tpu.memory_space<vmem_shared>>
      tpu.wait_dma2 semaphore(%run_scoped3A : memref<!tpu.dma_semaphore, #tpu.memory_space<semaphore_mem>>) src(%arg15 : memref<128x64xf32, #tpu.memory_space<vmem>>) dst(%dma_wait3A_65 : memref<128x64xf32, #tpu.memory_space<vmem_shared>>)
      tpu.yield
    }) : () -> ()
    %add3A_15 = arith.constant 512 : i32
    %add3A_16 = arith.addi %mul3A_0, %add3A_15 : i32
    "tpu.region"() ({
      %run_scoped3A = tpu.sem_alloc : memref<!tpu.dma_semaphore, #tpu.memory_space<semaphore_mem>>
      %dma_start3A_58 = arith.constant 0 : i32
      %dma_start3A_59 = tpu.memref_slice %arg17[%add3A_16, %dma_start3A_58] : memref<10240x64xf32, #tpu.memory_space<vmem_shared>> -> memref<128x64xf32, #tpu.memory_space<vmem_shared>>
      %dma_start3A_60 = arith.constant 0 : i32
      %dma_start3A_61 = tpu.memref_slice %arg17[%add3A_16, %dma_start3A_60] : memref<10240x64xf32, #tpu.memory_space<vmem_shared>> -> memref<128x64xf32, #tpu.memory_space<vmem_shared>>
      tpu.enqueue_dma source(%arg15 : memref<128x64xf32, #tpu.memory_space<vmem>>) target(%dma_start3A_61 : memref<128x64xf32, #tpu.memory_space<vmem_shared>>) target_semaphore(%run_scoped3A : memref<!tpu.dma_semaphore, #tpu.memory_space<semaphore_mem>>)
      %dma_wait3A_62 = arith.constant 0 : i32
      %dma_wait3A_63 = tpu.memref_slice %arg17[%add3A_16, %dma_wait3A_62] : memref<10240x64xf32, #tpu.memory_space<vmem_shared>> -> memref<128x64xf32, #tpu.memory_space<vmem_shared>>
      %dma_wait3A_64 = arith.constant 0 : i32
      %dma_wait3A_65 = tpu.memref_slice %arg17[%add3A_16, %dma_wait3A_64] : memref<10240x64xf32, #tpu.memory_space<vmem_shared>> -> memref<128x64xf32, #tpu.memory_space<vmem_shared>>
      tpu.wait_dma2 semaphore(%run_scoped3A : memref<!tpu.dma_semaphore, #tpu.memory_space<semaphore_mem>>) src(%arg15 : memref<128x64xf32, #tpu.memory_space<vmem>>) dst(%dma_wait3A_65 : memref<128x64xf32, #tpu.memory_space<vmem_shared>>)
      tpu.yield
    }) : () -> ()
    "tpu.region"() ({
      %run_scoped3A = tpu.sem_alloc : memref<!tpu.dma_semaphore, #tpu.memory_space<semaphore_mem>>
      %dma_start3A_58 = arith.constant 0 : i32
      %dma_start3A_59 = arith.constant 0 : i32
      %dma_start3A_60 = tpu.memref_slice %arg3[%arg0, %arg1, %dma_start3A_58, %dma_start3A_59] : memref<2x16x160x128xi32, #tpu.memory_space<hbm>> -> memref<1x1x160x128xi32, #tpu.memory_space<hbm>>
      %dma_start3A_61 = tpu.memref_squeeze %dma_start3A_60 : memref<1x1x160x128xi32, #tpu.memory_space<hbm>> -> memref<160x128xi32, #tpu.memory_space<hbm>>
      %dma_start3A_62 = arith.constant 0 : i32
      %dma_start3A_63 = arith.constant 0 : i32
      %dma_start3A_64 = tpu.memref_slice %arg3[%arg0, %arg1, %dma_start3A_62, %dma_start3A_63] : memref<2x16x160x128xi32, #tpu.memory_space<hbm>> -> memref<1x1x160x128xi32, #tpu.memory_space<hbm>>
      %dma_start3A_65 = tpu.memref_squeeze %dma_start3A_64 : memref<1x1x160x128xi32, #tpu.memory_space<hbm>> -> memref<160x128xi32, #tpu.memory_space<hbm>>
      tpu.enqueue_dma source(%dma_start3A_65 : memref<160x128xi32, #tpu.memory_space<hbm>>) target(%arg9 : memref<160x128xi32, #tpu.memory_space<vmem>>) target_semaphore(%run_scoped3A : memref<!tpu.dma_semaphore, #tpu.memory_space<semaphore_mem>>)
      %dma_wait3A_66 = arith.constant 0 : i32
      %dma_wait3A_67 = arith.constant 0 : i32
      %dma_wait3A_68 = tpu.memref_slice %arg3[%arg0, %arg1, %dma_wait3A_66, %dma_wait3A_67] : memref<2x16x160x128xi32, #tpu.memory_space<hbm>> -> memref<1x1x160x128xi32, #tpu.memory_space<hbm>>
      %dma_wait3A_69 = tpu.memref_squeeze %dma_wait3A_68 : memref<1x1x160x128xi32, #tpu.memory_space<hbm>> -> memref<160x128xi32, #tpu.memory_space<hbm>>
      %dma_wait3A_70 = arith.constant 0 : i32
      %dma_wait3A_71 = arith.constant 0 : i32
      %dma_wait3A_72 = tpu.memref_slice %arg3[%arg0, %arg1, %dma_wait3A_70, %dma_wait3A_71] : memref<2x16x160x128xi32, #tpu.memory_space<hbm>> -> memref<1x1x160x128xi32, #tpu.memory_space<hbm>>
      %dma_wait3A_73 = tpu.memref_squeeze %dma_wait3A_72 : memref<1x1x160x128xi32, #tpu.memory_space<hbm>> -> memref<160x128xi32, #tpu.memory_space<hbm>>
      tpu.wait_dma2 semaphore(%run_scoped3A : memref<!tpu.dma_semaphore, #tpu.memory_space<semaphore_mem>>) src(%dma_wait3A_73 : memref<160x128xi32, #tpu.memory_space<hbm>>) dst(%arg9 : memref<160x128xi32, #tpu.memory_space<vmem>>)
      tpu.yield
    }) : () -> ()
    "tpu.region"() ({
      %run_scoped3A = tpu.sem_alloc : memref<!tpu.dma_semaphore, #tpu.memory_space<semaphore_mem>>
      %dma_start3A_58 = arith.constant 0 : i32
      %dma_start3A_59 = arith.constant 0 : i32
      %dma_start3A_60 = tpu.memref_slice %arg4[%arg1, %dma_start3A_58, %dma_start3A_59] : memref<16x160x128xi32, #tpu.memory_space<hbm>> -> memref<1x160x128xi32, #tpu.memory_space<hbm>>
      %dma_start3A_61 = tpu.memref_squeeze %dma_start3A_60 : memref<1x160x128xi32, #tpu.memory_space<hbm>> -> memref<160x128xi32, #tpu.memory_space<hbm>>
      %dma_start3A_62 = arith.constant 0 : i32
      %dma_start3A_63 = arith.constant 0 : i32
      %dma_start3A_64 = tpu.memref_slice %arg4[%arg1, %dma_start3A_62, %dma_start3A_63] : memref<16x160x128xi32, #tpu.memory_space<hbm>> -> memref<1x160x128xi32, #tpu.memory_space<hbm>>
      %dma_start3A_65 = tpu.memref_squeeze %dma_start3A_64 : memref<1x160x128xi32, #tpu.memory_space<hbm>> -> memref<160x128xi32, #tpu.memory_space<hbm>>
      tpu.enqueue_dma source(%dma_start3A_65 : memref<160x128xi32, #tpu.memory_space<hbm>>) target(%arg10 : memref<160x128xi32, #tpu.memory_space<vmem>>) target_semaphore(%run_scoped3A : memref<!tpu.dma_semaphore, #tpu.memory_space<semaphore_mem>>)
      %dma_wait3A_66 = arith.constant 0 : i32
      %dma_wait3A_67 = arith.constant 0 : i32
      %dma_wait3A_68 = tpu.memref_slice %arg4[%arg1, %dma_wait3A_66, %dma_wait3A_67] : memref<16x160x128xi32, #tpu.memory_space<hbm>> -> memref<1x160x128xi32, #tpu.memory_space<hbm>>
      %dma_wait3A_69 = tpu.memref_squeeze %dma_wait3A_68 : memref<1x160x128xi32, #tpu.memory_space<hbm>> -> memref<160x128xi32, #tpu.memory_space<hbm>>
      %dma_wait3A_70 = arith.constant 0 : i32
      %dma_wait3A_71 = arith.constant 0 : i32
      %dma_wait3A_72 = tpu.memref_slice %arg4[%arg1, %dma_wait3A_70, %dma_wait3A_71] : memref<16x160x128xi32, #tpu.memory_space<hbm>> -> memref<1x160x128xi32, #tpu.memory_space<hbm>>
      %dma_wait3A_73 = tpu.memref_squeeze %dma_wait3A_72 : memref<1x160x128xi32, #tpu.memory_space<hbm>> -> memref<160x128xi32, #tpu.memory_space<hbm>>
      tpu.wait_dma2 semaphore(%run_scoped3A : memref<!tpu.dma_semaphore, #tpu.memory_space<semaphore_mem>>) src(%dma_wait3A_73 : memref<160x128xi32, #tpu.memory_space<hbm>>) dst(%arg10 : memref<160x128xi32, #tpu.memory_space<vmem>>)
      tpu.yield
    }) : () -> ()
    %barrier3A = arith.constant 0 : index
    tpu.barrier barrier_id(%barrier3A)
    %dma_start3A = arith.constant 0 : i32
    %dma_start3A_17 = arith.constant 0 : i32
    %dma_start3A_18 = tpu.memref_slice %arg9[%dma_start3A, %dma_start3A_17] : memref<160x128xi32, #tpu.memory_space<vmem>> -> memref<1x128xi32, #tpu.memory_space<vmem>>
    %dma_start3A_19 = tpu.memref_squeeze %dma_start3A_18 : memref<1x128xi32, #tpu.memory_space<vmem>> -> memref<128xi32, #tpu.memory_space<vmem>>
    %dma_start3A_20 = arith.constant 0 : i32
    %dma_start3A_21 = arith.constant 0 : i32
    %dma_start3A_22 = tpu.memref_slice %arg2[%dma_start3A_20, %dma_start3A_21] : memref<20000x64xbf16, #tpu.memory_space<hbm>> -> memref<20000x64xbf16, #tpu.memory_space<hbm>>
    tpu.enqueue_indirect_dma source(%dma_start3A_22 : memref<20000x64xbf16, #tpu.memory_space<hbm>>) target(%arg11 : memref<128x64xbf16, #tpu.memory_space<vmem>>) offsets(%dma_start3A_19 : memref<128xi32, #tpu.memory_space<vmem>>) semaphore(%arg19 : memref<!tpu.dma_semaphore, #tpu.memory_space<semaphore_mem>>)
    %dma_start3A_23 = arith.constant 1 : i32
    %dma_start3A_24 = arith.constant 0 : i32
    %dma_start3A_25 = tpu.memref_slice %arg9[%dma_start3A_23, %dma_start3A_24] : memref<160x128xi32, #tpu.memory_space<vmem>> -> memref<1x128xi32, #tpu.memory_space<vmem>>
    %dma_start3A_26 = tpu.memref_squeeze %dma_start3A_25 : memref<1x128xi32, #tpu.memory_space<vmem>> -> memref<128xi32, #tpu.memory_space<vmem>>
    %dma_start3A_27 = arith.constant 0 : i32
    %dma_start3A_28 = arith.constant 0 : i32
    %dma_start3A_29 = tpu.memref_slice %arg2[%dma_start3A_27, %dma_start3A_28] : memref<20000x64xbf16, #tpu.memory_space<hbm>> -> memref<20000x64xbf16, #tpu.memory_space<hbm>>
    tpu.enqueue_indirect_dma source(%dma_start3A_29 : memref<20000x64xbf16, #tpu.memory_space<hbm>>) target(%arg12 : memref<128x64xbf16, #tpu.memory_space<vmem>>) offsets(%dma_start3A_26 : memref<128xi32, #tpu.memory_space<vmem>>) semaphore(%arg20 : memref<!tpu.dma_semaphore, #tpu.memory_space<semaphore_mem>>)
    %scan3A_30 = arith.constant 0 : i32
    %scan3A_31 = arith.constant 0 : i32
    %scan3A_32 = arith.constant 80 : i32
    %scan3A_33 = arith.addi %scan3A_31, %scan3A_32 : i32
    %scan3A_34 = arith.constant 1 : i32
    %scan3A_35 = scf.for %scan3A_58 = %scan3A_31 to %scan3A_33 step %scan3A_34 iter_args(%scan3A_59 = %scan3A_30) -> (i32)  : i32 {
      %mul3A_60 = arith.constant 2 : i32
      %mul3A_61 = arith.muli %scan3A_58, %mul3A_60 : i32
      %dma_wait3A_62 = arith.constant 0 : i32
      %dma_wait3A_63 = arith.constant 0 : i32
      %dma_wait3A_64 = tpu.memref_slice %arg9[%dma_wait3A_62, %dma_wait3A_63] : memref<160x128xi32, #tpu.memory_space<vmem>> -> memref<1x128xi32, #tpu.memory_space<vmem>>
      %dma_wait3A_65 = tpu.memref_squeeze %dma_wait3A_64 : memref<1x128xi32, #tpu.memory_space<vmem>> -> memref<128xi32, #tpu.memory_space<vmem>>
      %dma_wait3A_66 = arith.constant 0 : i32
      %dma_wait3A_67 = arith.constant 0 : i32
      %dma_wait3A_68 = tpu.memref_slice %arg2[%dma_wait3A_66, %dma_wait3A_67] : memref<20000x64xbf16, #tpu.memory_space<hbm>> -> memref<20000x64xbf16, #tpu.memory_space<hbm>>
      tpu.wait_indirect_dma semaphore(%arg19 : memref<!tpu.dma_semaphore, #tpu.memory_space<semaphore_mem>>) src(%dma_wait3A_68 : memref<20000x64xbf16, #tpu.memory_space<hbm>>) dst(%arg11 : memref<128x64xbf16, #tpu.memory_space<vmem>>)
      %gt3A = arith.constant 0 : i32
      %gt3A_69 = arith.cmpi sgt, %scan3A_58, %gt3A : i32
      %convert_element_type3A = arith.extui %gt3A_69 : i1 to i32
      %cond3A = arith.constant 0 : i32
      %cond3A_70 = arith.cmpi ne, %convert_element_type3A, %cond3A : i32
      scf.if %cond3A_70 {
        %dma_wait3A_137 = arith.constant 0 : i32
        %dma_wait3A_138 = arith.constant 0 : i32
        %dma_wait3A_139 = tpu.memref_slice %arg10[%dma_wait3A_137, %dma_wait3A_138] : memref<160x128xi32, #tpu.memory_space<vmem>> -> memref<1x128xi32, #tpu.memory_space<vmem>>
        %dma_wait3A_140 = tpu.memref_squeeze %dma_wait3A_139 : memref<1x128xi32, #tpu.memory_space<vmem>> -> memref<128xi32, #tpu.memory_space<vmem>>
        %dma_wait3A_141 = arith.constant 0 : i32
        %dma_wait3A_142 = arith.constant 0 : i32
        %dma_wait3A_143 = tpu.memref_slice %arg17[%dma_wait3A_141, %dma_wait3A_142] : memref<10240x64xf32, #tpu.memory_space<vmem_shared>> -> memref<10240x64xf32, #tpu.memory_space<vmem_shared>>
        tpu.wait_indirect_dma semaphore(%arg21 : memref<!tpu.dma_semaphore, #tpu.memory_space<semaphore_mem>>) src(%arg13 : memref<128x64xf32, #tpu.memory_space<vmem>>) dst(%dma_wait3A_143 : memref<10240x64xf32, #tpu.memory_space<vmem_shared>>)
      } else {
      }
      %scan3A_71 = arith.constant 0 : i32
      %scan3A_72 = arith.constant 0 : i32
      %scan3A_73 = arith.constant 64 : i32
      %scan3A_74 = arith.addi %scan3A_72, %scan3A_73 : i32
      %scan3A_75 = arith.constant 1 : i32
      %scan3A_76 = scf.for %scan3A_137 = %scan3A_72 to %scan3A_74 step %scan3A_75 iter_args(%scan3A_138 = %scan3A_71) -> (i32)  : i32 {
        %mul3A_139 = arith.constant 2 : i32
        %mul3A_140 = arith.muli %scan3A_137, %mul3A_139 : i32
        %add3A_141 = arith.constant 0 : i32
        %add3A_142 = arith.addi %mul3A_140, %add3A_141 : i32
        %get3A = arith.index_cast %add3A_142 : i32 to index
        %get3A_143 = arith.constant 0 : index
        %get3A_144 = tpu.vector_load %arg11[%get3A, %get3A_143] {strides = array<i32>} : memref<128x64xbf16, #tpu.memory_space<vmem>>, vector<32xbf16>,
        %unpack3A = tpu.unpack_subelements %get3A_144, 0 {pack_format = #tpu.pack_format<interleaved>} : vector<32xbf16> -> vector<16xf32>
        %unpack3A_145 = tpu.unpack_subelements %get3A_144, 1 {pack_format = #tpu.pack_format<interleaved>} : vector<32xbf16> -> vector<16xf32>
        %swap3A = arith.index_cast %add3A_142 : i32 to index
        %swap3A_146 = arith.constant 0 : index
        %swap3A_147 = tpu.vector_load %arg13[%swap3A, %swap3A_146] {strides = array<i32>} : memref<128x64xf32, #tpu.memory_space<vmem>>, vector<16xf32>,
        tpu.vector_store %arg13[%swap3A, %swap3A_146], %unpack3A {strides = array<i32>} : memref<128x64xf32, #tpu.memory_space<vmem>>, vector<16xf32>,
        %swap3A_148 = arith.index_cast %add3A_142 : i32 to index
        %swap3A_149 = arith.constant 16 : index
        %swap3A_150 = tpu.vector_load %arg13[%swap3A_148, %swap3A_149] {strides = array<i32>} : memref<128x64xf32, #tpu.memory_space<vmem>>, vector<16xf32>,
        tpu.vector_store %arg13[%swap3A_148, %swap3A_149], %unpack3A_145 {strides = array<i32>} : memref<128x64xf32, #tpu.memory_space<vmem>>, vector<16xf32>,
        %get3A_151 = arith.index_cast %add3A_142 : i32 to index
        %get3A_152 = arith.constant 32 : index
        %get3A_153 = tpu.vector_load %arg11[%get3A_151, %get3A_152] {strides = array<i32>} : memref<128x64xbf16, #tpu.memory_space<vmem>>, vector<32xbf16>,
        %unpack3A_154 = tpu.unpack_subelements %get3A_153, 0 {pack_format = #tpu.pack_format<interleaved>} : vector<32xbf16> -> vector<16xf32>
        %unpack3A_155 = tpu.unpack_subelements %get3A_153, 1 {pack_format = #tpu.pack_format<interleaved>} : vector<32xbf16> -> vector<16xf32>
        %swap3A_156 = arith.index_cast %add3A_142 : i32 to index
        %swap3A_157 = arith.constant 32 : index
        %swap3A_158 = tpu.vector_load %arg13[%swap3A_156, %swap3A_157] {strides = array<i32>} : memref<128x64xf32, #tpu.memory_space<vmem>>, vector<16xf32>,
        tpu.vector_store %arg13[%swap3A_156, %swap3A_157], %unpack3A_154 {strides = array<i32>} : memref<128x64xf32, #tpu.memory_space<vmem>>, vector<16xf32>,
        %swap3A_159 = arith.index_cast %add3A_142 : i32 to index
        %swap3A_160 = arith.constant 48 : index
        %swap3A_161 = tpu.vector_load %arg13[%swap3A_159, %swap3A_160] {strides = array<i32>} : memref<128x64xf32, #tpu.memory_space<vmem>>, vector<16xf32>,
        tpu.vector_store %arg13[%swap3A_159, %swap3A_160], %unpack3A_155 {strides = array<i32>} : memref<128x64xf32, #tpu.memory_space<vmem>>, vector<16xf32>,
        %mul3A_162 = arith.constant 2 : i32
        %mul3A_163 = arith.muli %scan3A_137, %mul3A_162 : i32
        %add3A_164 = arith.constant 1 : i32
        %add3A_165 = arith.addi %mul3A_163, %add3A_164 : i32
        %get3A_166 = arith.index_cast %add3A_165 : i32 to index
        %get3A_167 = arith.constant 0 : index
        %get3A_168 = tpu.vector_load %arg11[%get3A_166, %get3A_167] {strides = array<i32>} : memref<128x64xbf16, #tpu.memory_space<vmem>>, vector<32xbf16>,
        %unpack3A_169 = tpu.unpack_subelements %get3A_168, 0 {pack_format = #tpu.pack_format<interleaved>} : vector<32xbf16> -> vector<16xf32>
        %unpack3A_170 = tpu.unpack_subelements %get3A_168, 1 {pack_format = #tpu.pack_format<interleaved>} : vector<32xbf16> -> vector<16xf32>
        %swap3A_171 = arith.index_cast %add3A_165 : i32 to index
        %swap3A_172 = arith.constant 0 : index
        %swap3A_173 = tpu.vector_load %arg13[%swap3A_171, %swap3A_172] {strides = array<i32>} : memref<128x64xf32, #tpu.memory_space<vmem>>, vector<16xf32>,
        tpu.vector_store %arg13[%swap3A_171, %swap3A_172], %unpack3A_169 {strides = array<i32>} : memref<128x64xf32, #tpu.memory_space<vmem>>, vector<16xf32>,
        %swap3A_174 = arith.index_cast %add3A_165 : i32 to index
        %swap3A_175 = arith.constant 16 : index
        %swap3A_176 = tpu.vector_load %arg13[%swap3A_174, %swap3A_175] {strides = array<i32>} : memref<128x64xf32, #tpu.memory_space<vmem>>, vector<16xf32>,
        tpu.vector_store %arg13[%swap3A_174, %swap3A_175], %unpack3A_170 {strides = array<i32>} : memref<128x64xf32, #tpu.memory_space<vmem>>, vector<16xf32>,
        %get3A_177 = arith.index_cast %add3A_165 : i32 to index
        %get3A_178 = arith.constant 32 : index
        %get3A_179 = tpu.vector_load %arg11[%get3A_177, %get3A_178] {strides = array<i32>} : memref<128x64xbf16, #tpu.memory_space<vmem>>, vector<32xbf16>,
        %unpack3A_180 = tpu.unpack_subelements %get3A_179, 0 {pack_format = #tpu.pack_format<interleaved>} : vector<32xbf16> -> vector<16xf32>
        %unpack3A_181 = tpu.unpack_subelements %get3A_179, 1 {pack_format = #tpu.pack_format<interleaved>} : vector<32xbf16> -> vector<16xf32>
        %swap3A_182 = arith.index_cast %add3A_165 : i32 to index
        %swap3A_183 = arith.constant 32 : index
        %swap3A_184 = tpu.vector_load %arg13[%swap3A_182, %swap3A_183] {strides = array<i32>} : memref<128x64xf32, #tpu.memory_space<vmem>>, vector<16xf32>,
        tpu.vector_store %arg13[%swap3A_182, %swap3A_183], %unpack3A_180 {strides = array<i32>} : memref<128x64xf32, #tpu.memory_space<vmem>>, vector<16xf32>,
        %swap3A_185 = arith.index_cast %add3A_165 : i32 to index
        %swap3A_186 = arith.constant 48 : index
        %swap3A_187 = tpu.vector_load %arg13[%swap3A_185, %swap3A_186] {strides = array<i32>} : memref<128x64xf32, #tpu.memory_space<vmem>>, vector<16xf32>,
        tpu.vector_store %arg13[%swap3A_185, %swap3A_186], %unpack3A_181 {strides = array<i32>} : memref<128x64xf32, #tpu.memory_space<vmem>>, vector<16xf32>,
        %scan3A_188 = arith.constant 0 : i32
        scf.yield %scan3A_188 : i32
      }
      %scan3A_77 = arith.constant 64 : i32
      %add3A_78 = arith.constant 2 : i32
      %add3A_79 = arith.addi %mul3A_61, %add3A_78 : i32
      %lt3A = arith.constant 160 : i32
      %lt3A_80 = arith.cmpi slt, %add3A_79, %lt3A : i32
      %convert_element_type3A_81 = arith.extui %lt3A_80 : i1 to i32
      %cond3A_82 = arith.constant 0 : i32
      %cond3A_83 = arith.cmpi ne, %convert_element_type3A_81, %cond3A_82 : i32
      scf.if %cond3A_83 {
        %add3A_137 = arith.constant 2 : i32
        %add3A_138 = arith.addi %mul3A_61, %add3A_137 : i32
        %dma_start3A_139 = arith.constant 0 : i32
        %dma_start3A_140 = tpu.memref_slice %arg9[%add3A_138, %dma_start3A_139] : memref<160x128xi32, #tpu.memory_space<vmem>> -> memref<1x128xi32, #tpu.memory_space<vmem>>
        %dma_start3A_141 = tpu.memref_squeeze %dma_start3A_140 : memref<1x128xi32, #tpu.memory_space<vmem>> -> memref<128xi32, #tpu.memory_space<vmem>>
        %dma_start3A_142 = arith.constant 0 : i32
        %dma_start3A_143 = arith.constant 0 : i32
        %dma_start3A_144 = tpu.memref_slice %arg2[%dma_start3A_142, %dma_start3A_143] : memref<20000x64xbf16, #tpu.memory_space<hbm>> -> memref<20000x64xbf16, #tpu.memory_space<hbm>>
        tpu.enqueue_indirect_dma source(%dma_start3A_144 : memref<20000x64xbf16, #tpu.memory_space<hbm>>) target(%arg11 : memref<128x64xbf16, #tpu.memory_space<vmem>>) offsets(%dma_start3A_141 : memref<128xi32, #tpu.memory_space<vmem>>) semaphore(%arg19 : memref<!tpu.dma_semaphore, #tpu.memory_space<semaphore_mem>>)
      } else {
      }
      %dma_start3A_84 = arith.constant 0 : i32
      %dma_start3A_85 = tpu.memref_slice %arg10[%mul3A_61, %dma_start3A_84] : memref<160x128xi32, #tpu.memory_space<vmem>> -> memref<1x128xi32, #tpu.memory_space<vmem>>
      %dma_start3A_86 = tpu.memref_squeeze %dma_start3A_85 : memref<1x128xi32, #tpu.memory_space<vmem>> -> memref<128xi32, #tpu.memory_space<vmem>>
      %dma_start3A_87 = arith.constant 0 : i32
      %dma_start3A_88 = arith.constant 0 : i32
      %dma_start3A_89 = tpu.memref_slice %arg18[%dma_start3A_87, %dma_start3A_88] : memref<10240x8xf32, #tpu.memory_space<vmem_shared>> -> memref<10240x8xf32, #tpu.memory_space<vmem_shared>>
      tpu.enqueue_indirect_dma source(%arg16 : memref<128x8xf32, #tpu.memory_space<vmem>>) target(%dma_start3A_89 : memref<10240x8xf32, #tpu.memory_space<vmem_shared>>) offsets(%dma_start3A_86 : memref<128xi32, #tpu.memory_space<vmem>>) semaphore(%arg23 : memref<!tpu.dma_semaphore, #tpu.memory_space<semaphore_mem>>) {add = true}
      %dma_start3A_90 = arith.constant 0 : i32
      %dma_start3A_91 = tpu.memref_slice %arg10[%mul3A_61, %dma_start3A_90] : memref<160x128xi32, #tpu.memory_space<vmem>> -> memref<1x128xi32, #tpu.memory_space<vmem>>
      %dma_start3A_92 = tpu.memref_squeeze %dma_start3A_91 : memref<1x128xi32, #tpu.memory_space<vmem>> -> memref<128xi32, #tpu.memory_space<vmem>>
      %dma_start3A_93 = arith.constant 0 : i32
      %dma_start3A_94 = arith.constant 0 : i32
      %dma_start3A_95 = tpu.memref_slice %arg17[%dma_start3A_93, %dma_start3A_94] : memref<10240x64xf32, #tpu.memory_space<vmem_shared>> -> memref<10240x64xf32, #tpu.memory_space<vmem_shared>>
      tpu.enqueue_indirect_dma source(%arg13 : memref<128x64xf32, #tpu.memory_space<vmem>>) target(%dma_start3A_95 : memref<10240x64xf32, #tpu.memory_space<vmem_shared>>) offsets(%dma_start3A_92 : memref<128xi32, #tpu.memory_space<vmem>>) semaphore(%arg21 : memref<!tpu.dma_semaphore, #tpu.memory_space<semaphore_mem>>) {add = true}
      %dma_wait3A_96 = arith.constant 0 : i32
      %dma_wait3A_97 = arith.constant 0 : i32
      %dma_wait3A_98 = tpu.memref_slice %arg9[%dma_wait3A_96, %dma_wait3A_97] : memref<160x128xi32, #tpu.memory_space<vmem>> -> memref<1x128xi32, #tpu.memory_space<vmem>>
      %dma_wait3A_99 = tpu.memref_squeeze %dma_wait3A_98 : memref<1x128xi32, #tpu.memory_space<vmem>> -> memref<128xi32, #tpu.memory_space<vmem>>
      %dma_wait3A_100 = arith.constant 0 : i32
      %dma_wait3A_101 = arith.constant 0 : i32
      %dma_wait3A_102 = tpu.memref_slice %arg2[%dma_wait3A_100, %dma_wait3A_101] : memref<20000x64xbf16, #tpu.memory_space<hbm>> -> memref<20000x64xbf16, #tpu.memory_space<hbm>>
      tpu.wait_indirect_dma semaphore(%arg20 : memref<!tpu.dma_semaphore, #tpu.memory_space<semaphore_mem>>) src(%dma_wait3A_102 : memref<20000x64xbf16, #tpu.memory_space<hbm>>) dst(%arg12 : memref<128x64xbf16, #tpu.memory_space<vmem>>)
      %gt3A_103 = arith.constant 0 : i32
      %gt3A_104 = arith.cmpi sgt, %scan3A_58, %gt3A_103 : i32
      %convert_element_type3A_105 = arith.extui %gt3A_104 : i1 to i32
      %cond3A_106 = arith.constant 0 : i32
      %cond3A_107 = arith.cmpi ne, %convert_element_type3A_105, %cond3A_106 : i32
      scf.if %cond3A_107 {
        %dma_wait3A_137 = arith.constant 0 : i32
        %dma_wait3A_138 = arith.constant 0 : i32
        %dma_wait3A_139 = tpu.memref_slice %arg10[%dma_wait3A_137, %dma_wait3A_138] : memref<160x128xi32, #tpu.memory_space<vmem>> -> memref<1x128xi32, #tpu.memory_space<vmem>>
        %dma_wait3A_140 = tpu.memref_squeeze %dma_wait3A_139 : memref<1x128xi32, #tpu.memory_space<vmem>> -> memref<128xi32, #tpu.memory_space<vmem>>
        %dma_wait3A_141 = arith.constant 0 : i32
        %dma_wait3A_142 = arith.constant 0 : i32
        %dma_wait3A_143 = tpu.memref_slice %arg17[%dma_wait3A_141, %dma_wait3A_142] : memref<10240x64xf32, #tpu.memory_space<vmem_shared>> -> memref<10240x64xf32, #tpu.memory_space<vmem_shared>>
        tpu.wait_indirect_dma semaphore(%arg22 : memref<!tpu.dma_semaphore, #tpu.memory_space<semaphore_mem>>) src(%arg14 : memref<128x64xf32, #tpu.memory_space<vmem>>) dst(%dma_wait3A_143 : memref<10240x64xf32, #tpu.memory_space<vmem_shared>>)
      } else {
      }
      %scan3A_108 = arith.constant 0 : i32
      %scan3A_109 = arith.constant 0 : i32
      %scan3A_110 = arith.constant 64 : i32
      %scan3A_111 = arith.addi %scan3A_109, %scan3A_110 : i32
      %scan3A_112 = arith.constant 1 : i32
      %scan3A_113 = scf.for %scan3A_137 = %scan3A_109 to %scan3A_111 step %scan3A_112 iter_args(%scan3A_138 = %scan3A_108) -> (i32)  : i32 {
        %mul3A_139 = arith.constant 2 : i32
        %mul3A_140 = arith.muli %scan3A_137, %mul3A_139 : i32
        %add3A_141 = arith.constant 0 : i32
        %add3A_142 = arith.addi %mul3A_140, %add3A_141 : i32
        %get3A = arith.index_cast %add3A_142 : i32 to index
        %get3A_143 = arith.constant 0 : index
        %get3A_144 = tpu.vector_load %arg12[%get3A, %get3A_143] {strides = array<i32>} : memref<128x64xbf16, #tpu.memory_space<vmem>>, vector<32xbf16>,
        %unpack3A = tpu.unpack_subelements %get3A_144, 0 {pack_format = #tpu.pack_format<interleaved>} : vector<32xbf16> -> vector<16xf32>
        %unpack3A_145 = tpu.unpack_subelements %get3A_144, 1 {pack_format = #tpu.pack_format<interleaved>} : vector<32xbf16> -> vector<16xf32>
        %swap3A = arith.index_cast %add3A_142 : i32 to index
        %swap3A_146 = arith.constant 0 : index
        %swap3A_147 = tpu.vector_load %arg14[%swap3A, %swap3A_146] {strides = array<i32>} : memref<128x64xf32, #tpu.memory_space<vmem>>, vector<16xf32>,
        tpu.vector_store %arg14[%swap3A, %swap3A_146], %unpack3A {strides = array<i32>} : memref<128x64xf32, #tpu.memory_space<vmem>>, vector<16xf32>,
        %swap3A_148 = arith.index_cast %add3A_142 : i32 to index
        %swap3A_149 = arith.constant 16 : index
        %swap3A_150 = tpu.vector_load %arg14[%swap3A_148, %swap3A_149] {strides = array<i32>} : memref<128x64xf32, #tpu.memory_space<vmem>>, vector<16xf32>,
        tpu.vector_store %arg14[%swap3A_148, %swap3A_149], %unpack3A_145 {strides = array<i32>} : memref<128x64xf32, #tpu.memory_space<vmem>>, vector<16xf32>,
        %get3A_151 = arith.index_cast %add3A_142 : i32 to index
        %get3A_152 = arith.constant 32 : index
        %get3A_153 = tpu.vector_load %arg12[%get3A_151, %get3A_152] {strides = array<i32>} : memref<128x64xbf16, #tpu.memory_space<vmem>>, vector<32xbf16>,
        %unpack3A_154 = tpu.unpack_subelements %get3A_153, 0 {pack_format = #tpu.pack_format<interleaved>} : vector<32xbf16> -> vector<16xf32>
        %unpack3A_155 = tpu.unpack_subelements %get3A_153, 1 {pack_format = #tpu.pack_format<interleaved>} : vector<32xbf16> -> vector<16xf32>
        %swap3A_156 = arith.index_cast %add3A_142 : i32 to index
        %swap3A_157 = arith.constant 32 : index
        %swap3A_158 = tpu.vector_load %arg14[%swap3A_156, %swap3A_157] {strides = array<i32>} : memref<128x64xf32, #tpu.memory_space<vmem>>, vector<16xf32>,
        tpu.vector_store %arg14[%swap3A_156, %swap3A_157], %unpack3A_154 {strides = array<i32>} : memref<128x64xf32, #tpu.memory_space<vmem>>, vector<16xf32>,
        %swap3A_159 = arith.index_cast %add3A_142 : i32 to index
        %swap3A_160 = arith.constant 48 : index
        %swap3A_161 = tpu.vector_load %arg14[%swap3A_159, %swap3A_160] {strides = array<i32>} : memref<128x64xf32, #tpu.memory_space<vmem>>, vector<16xf32>,
        tpu.vector_store %arg14[%swap3A_159, %swap3A_160], %unpack3A_155 {strides = array<i32>} : memref<128x64xf32, #tpu.memory_space<vmem>>, vector<16xf32>,
        %mul3A_162 = arith.constant 2 : i32
        %mul3A_163 = arith.muli %scan3A_137, %mul3A_162 : i32
        %add3A_164 = arith.constant 1 : i32
        %add3A_165 = arith.addi %mul3A_163, %add3A_164 : i32
        %get3A_166 = arith.index_cast %add3A_165 : i32 to index
        %get3A_167 = arith.constant 0 : index
        %get3A_168 = tpu.vector_load %arg12[%get3A_166, %get3A_167] {strides = array<i32>} : memref<128x64xbf16, #tpu.memory_space<vmem>>, vector<32xbf16>,
        %unpack3A_169 = tpu.unpack_subelements %get3A_168, 0 {pack_format = #tpu.pack_format<interleaved>} : vector<32xbf16> -> vector<16xf32>
        %unpack3A_170 = tpu.unpack_subelements %get3A_168, 1 {pack_format = #tpu.pack_format<interleaved>} : vector<32xbf16> -> vector<16xf32>
        %swap3A_171 = arith.index_cast %add3A_165 : i32 to index
        %swap3A_172 = arith.constant 0 : index
        %swap3A_173 = tpu.vector_load %arg14[%swap3A_171, %swap3A_172] {strides = array<i32>} : memref<128x64xf32, #tpu.memory_space<vmem>>, vector<16xf32>,
        tpu.vector_store %arg14[%swap3A_171, %swap3A_172], %unpack3A_169 {strides = array<i32>} : memref<128x64xf32, #tpu.memory_space<vmem>>, vector<16xf32>,
        %swap3A_174 = arith.index_cast %add3A_165 : i32 to index
        %swap3A_175 = arith.constant 16 : index
        %swap3A_176 = tpu.vector_load %arg14[%swap3A_174, %swap3A_175] {strides = array<i32>} : memref<128x64xf32, #tpu.memory_space<vmem>>, vector<16xf32>,
        tpu.vector_store %arg14[%swap3A_174, %swap3A_175], %unpack3A_170 {strides = array<i32>} : memref<128x64xf32, #tpu.memory_space<vmem>>, vector<16xf32>,
        %get3A_177 = arith.index_cast %add3A_165 : i32 to index
        %get3A_178 = arith.constant 32 : index
        %get3A_179 = tpu.vector_load %arg12[%get3A_177, %get3A_178] {strides = array<i32>} : memref<128x64xbf16, #tpu.memory_space<vmem>>, vector<32xbf16>,
        %unpack3A_180 = tpu.unpack_subelements %get3A_179, 0 {pack_format = #tpu.pack_format<interleaved>} : vector<32xbf16> -> vector<16xf32>
        %unpack3A_181 = tpu.unpack_subelements %get3A_179, 1 {pack_format = #tpu.pack_format<interleaved>} : vector<32xbf16> -> vector<16xf32>
        %swap3A_182 = arith.index_cast %add3A_165 : i32 to index
        %swap3A_183 = arith.constant 32 : index
        %swap3A_184 = tpu.vector_load %arg14[%swap3A_182, %swap3A_183] {strides = array<i32>} : memref<128x64xf32, #tpu.memory_space<vmem>>, vector<16xf32>,
        tpu.vector_store %arg14[%swap3A_182, %swap3A_183], %unpack3A_180 {strides = array<i32>} : memref<128x64xf32, #tpu.memory_space<vmem>>, vector<16xf32>,
        %swap3A_185 = arith.index_cast %add3A_165 : i32 to index
        %swap3A_186 = arith.constant 48 : index
        %swap3A_187 = tpu.vector_load %arg14[%swap3A_185, %swap3A_186] {strides = array<i32>} : memref<128x64xf32, #tpu.memory_space<vmem>>, vector<16xf32>,
        tpu.vector_store %arg14[%swap3A_185, %swap3A_186], %unpack3A_181 {strides = array<i32>} : memref<128x64xf32, #tpu.memory_space<vmem>>, vector<16xf32>,
        %scan3A_188 = arith.constant 0 : i32
        scf.yield %scan3A_188 : i32
      }
      %scan3A_114 = arith.constant 64 : i32
      %add3A_115 = arith.constant 3 : i32
      %add3A_116 = arith.addi %mul3A_61, %add3A_115 : i32
      %lt3A_117 = arith.constant 160 : i32
      %lt3A_118 = arith.cmpi slt, %add3A_116, %lt3A_117 : i32
      %convert_element_type3A_119 = arith.extui %lt3A_118 : i1 to i32
      %cond3A_120 = arith.constant 0 : i32
      %cond3A_121 = arith.cmpi ne, %convert_element_type3A_119, %cond3A_120 : i32
      scf.if %cond3A_121 {
        %add3A_137 = arith.constant 3 : i32
        %add3A_138 = arith.addi %mul3A_61, %add3A_137 : i32
        %dma_start3A_139 = arith.constant 0 : i32
        %dma_start3A_140 = tpu.memref_slice %arg9[%add3A_138, %dma_start3A_139] : memref<160x128xi32, #tpu.memory_space<vmem>> -> memref<1x128xi32, #tpu.memory_space<vmem>>
        %dma_start3A_141 = tpu.memref_squeeze %dma_start3A_140 : memref<1x128xi32, #tpu.memory_space<vmem>> -> memref<128xi32, #tpu.memory_space<vmem>>
        %dma_start3A_142 = arith.constant 0 : i32
        %dma_start3A_143 = arith.constant 0 : i32
        %dma_start3A_144 = tpu.memref_slice %arg2[%dma_start3A_142, %dma_start3A_143] : memref<20000x64xbf16, #tpu.memory_space<hbm>> -> memref<20000x64xbf16, #tpu.memory_space<hbm>>
        tpu.enqueue_indirect_dma source(%dma_start3A_144 : memref<20000x64xbf16, #tpu.memory_space<hbm>>) target(%arg12 : memref<128x64xbf16, #tpu.memory_space<vmem>>) offsets(%dma_start3A_141 : memref<128xi32, #tpu.memory_space<vmem>>) semaphore(%arg20 : memref<!tpu.dma_semaphore, #tpu.memory_space<semaphore_mem>>)
      } else {
      }
      %add3A_122 = arith.constant 1 : i32
      %add3A_123 = arith.addi %mul3A_61, %add3A_122 : i32
      %dma_start3A_124 = arith.constant 0 : i32
      %dma_start3A_125 = tpu.memref_slice %arg10[%add3A_123, %dma_start3A_124] : memref<160x128xi32, #tpu.memory_space<vmem>> -> memref<1x128xi32, #tpu.memory_space<vmem>>
      %dma_start3A_126 = tpu.memref_squeeze %dma_start3A_125 : memref<1x128xi32, #tpu.memory_space<vmem>> -> memref<128xi32, #tpu.memory_space<vmem>>
      %dma_start3A_127 = arith.constant 0 : i32
      %dma_start3A_128 = arith.constant 0 : i32
      %dma_start3A_129 = tpu.memref_slice %arg18[%dma_start3A_127, %dma_start3A_128] : memref<10240x8xf32, #tpu.memory_space<vmem_shared>> -> memref<10240x8xf32, #tpu.memory_space<vmem_shared>>
      tpu.enqueue_indirect_dma source(%arg16 : memref<128x8xf32, #tpu.memory_space<vmem>>) target(%dma_start3A_129 : memref<10240x8xf32, #tpu.memory_space<vmem_shared>>) offsets(%dma_start3A_126 : memref<128xi32, #tpu.memory_space<vmem>>) semaphore(%arg23 : memref<!tpu.dma_semaphore, #tpu.memory_space<semaphore_mem>>) {add = true}
      %dma_start3A_130 = arith.constant 0 : i32
      %dma_start3A_131 = tpu.memref_slice %arg10[%add3A_123, %dma_start3A_130] : memref<160x128xi32, #tpu.memory_space<vmem>> -> memref<1x128xi32, #tpu.memory_space<vmem>>
      %dma_start3A_132 = tpu.memref_squeeze %dma_start3A_131 : memref<1x128xi32, #tpu.memory_space<vmem>> -> memref<128xi32, #tpu.memory_space<vmem>>
      %dma_start3A_133 = arith.constant 0 : i32
      %dma_start3A_134 = arith.constant 0 : i32
      %dma_start3A_135 = tpu.memref_slice %arg17[%dma_start3A_133, %dma_start3A_134] : memref<10240x64xf32, #tpu.memory_space<vmem_shared>> -> memref<10240x64xf32, #tpu.memory_space<vmem_shared>>
      tpu.enqueue_indirect_dma source(%arg14 : memref<128x64xf32, #tpu.memory_space<vmem>>) target(%dma_start3A_135 : memref<10240x64xf32, #tpu.memory_space<vmem_shared>>) offsets(%dma_start3A_132 : memref<128xi32, #tpu.memory_space<vmem>>) semaphore(%arg22 : memref<!tpu.dma_semaphore, #tpu.memory_space<semaphore_mem>>) {add = true}
      %scan3A_136 = arith.constant 0 : i32
      scf.yield %scan3A_136 : i32
    }
    %scan3A_36 = arith.constant 80 : i32
    %dma_wait3A = arith.constant 0 : i32
    %dma_wait3A_37 = arith.constant 0 : i32
    %dma_wait3A_38 = tpu.memref_slice %arg10[%dma_wait3A, %dma_wait3A_37] : memref<160x128xi32, #tpu.memory_space<vmem>> -> memref<1x128xi32, #tpu.memory_space<vmem>>
    %dma_wait3A_39 = tpu.memref_squeeze %dma_wait3A_38 : memref<1x128xi32, #tpu.memory_space<vmem>> -> memref<128xi32, #tpu.memory_space<vmem>>
    %dma_wait3A_40 = arith.constant 0 : i32
    %dma_wait3A_41 = arith.constant 0 : i32
    %dma_wait3A_42 = tpu.memref_slice %arg17[%dma_wait3A_40, %dma_wait3A_41] : memref<10240x64xf32, #tpu.memory_space<vmem_shared>> -> memref<10240x64xf32, #tpu.memory_space<vmem_shared>>
    tpu.wait_indirect_dma semaphore(%arg21 : memref<!tpu.dma_semaphore, #tpu.memory_space<semaphore_mem>>) src(%arg13 : memref<128x64xf32, #tpu.memory_space<vmem>>) dst(%dma_wait3A_42 : memref<10240x64xf32, #tpu.memory_space<vmem_shared>>)
    %dma_wait3A_43 = arith.constant 0 : i32
    %dma_wait3A_44 = arith.constant 0 : i32
    %dma_wait3A_45 = tpu.memref_slice %arg10[%dma_wait3A_43, %dma_wait3A_44] : memref<160x128xi32, #tpu.memory_space<vmem>> -> memref<1x128xi32, #tpu.memory_space<vmem>>
    %dma_wait3A_46 = tpu.memref_squeeze %dma_wait3A_45 : memref<1x128xi32, #tpu.memory_space<vmem>> -> memref<128xi32, #tpu.memory_space<vmem>>
    %dma_wait3A_47 = arith.constant 0 : i32
    %dma_wait3A_48 = arith.constant 0 : i32
    %dma_wait3A_49 = tpu.memref_slice %arg17[%dma_wait3A_47, %dma_wait3A_48] : memref<10240x64xf32, #tpu.memory_space<vmem_shared>> -> memref<10240x64xf32, #tpu.memory_space<vmem_shared>>
    tpu.wait_indirect_dma semaphore(%arg22 : memref<!tpu.dma_semaphore, #tpu.memory_space<semaphore_mem>>) src(%arg14 : memref<128x64xf32, #tpu.memory_space<vmem>>) dst(%dma_wait3A_49 : memref<10240x64xf32, #tpu.memory_space<vmem_shared>>)
    %scan3A_50 = arith.constant 0 : i32
    %scan3A_51 = arith.constant 0 : i32
    %scan3A_52 = arith.constant 160 : i32
    %scan3A_53 = arith.addi %scan3A_51, %scan3A_52 : i32
    %scan3A_54 = arith.constant 1 : i32
    %scan3A_55 = scf.for %scan3A_58 = %scan3A_51 to %scan3A_53 step %scan3A_54 iter_args(%scan3A_59 = %scan3A_50) -> (i32)  : i32 {
      %dma_wait3A_60 = arith.constant 0 : i32
      %dma_wait3A_61 = arith.constant 0 : i32
      %dma_wait3A_62 = tpu.memref_slice %arg10[%dma_wait3A_60, %dma_wait3A_61] : memref<160x128xi32, #tpu.memory_space<vmem>> -> memref<1x128xi32, #tpu.memory_space<vmem>>
      %dma_wait3A_63 = tpu.memref_squeeze %dma_wait3A_62 : memref<1x128xi32, #tpu.memory_space<vmem>> -> memref<128xi32, #tpu.memory_space<vmem>>
      %dma_wait3A_64 = arith.constant 0 : i32
      %dma_wait3A_65 = arith.constant 0 : i32
      %dma_wait3A_66 = tpu.memref_slice %arg18[%dma_wait3A_64, %dma_wait3A_65] : memref<10240x8xf32, #tpu.memory_space<vmem_shared>> -> memref<10240x8xf32, #tpu.memory_space<vmem_shared>>
      tpu.wait_indirect_dma semaphore(%arg23 : memref<!tpu.dma_semaphore, #tpu.memory_space<semaphore_mem>>) src(%arg16 : memref<128x8xf32, #tpu.memory_space<vmem>>) dst(%dma_wait3A_66 : memref<10240x8xf32, #tpu.memory_space<vmem_shared>>)
      %scan3A_67 = arith.constant 0 : i32
      scf.yield %scan3A_67 : i32
    }
    %scan3A_56 = arith.constant 160 : i32
    %barrier3A_57 = arith.constant 0 : index
    tpu.barrier barrier_id(%barrier3A_57)
    "tpu.region"() ({
      %run_scoped3A = tpu.sem_alloc : memref<!tpu.dma_semaphore, #tpu.memory_space<semaphore_mem>>
      %dma_start3A_58 = arith.constant 0 : i32
      %dma_start3A_59 = tpu.memref_slice %arg7[%arg0, %mul3A_0, %dma_start3A_58] : memref<2x10240x64xf32, #tpu.memory_space<hbm>> -> memref<1x640x64xf32, #tpu.memory_space<hbm>>
      %dma_start3A_60 = tpu.memref_squeeze %dma_start3A_59 : memref<1x640x64xf32, #tpu.memory_space<hbm>> -> memref<640x64xf32, #tpu.memory_space<hbm>>
      %dma_start3A_61 = arith.constant 0 : i32
      %dma_start3A_62 = tpu.memref_slice %arg17[%mul3A_0, %dma_start3A_61] : memref<10240x64xf32, #tpu.memory_space<vmem_shared>> -> memref<640x64xf32, #tpu.memory_space<vmem_shared>>
      tpu.enqueue_dma source(%dma_start3A_62 : memref<640x64xf32, #tpu.memory_space<vmem_shared>>) target(%dma_start3A_60 : memref<640x64xf32, #tpu.memory_space<hbm>>) target_semaphore(%run_scoped3A : memref<!tpu.dma_semaphore, #tpu.memory_space<semaphore_mem>>)
      %dma_wait3A_63 = arith.constant 0 : i32
      %dma_wait3A_64 = tpu.memref_slice %arg7[%arg0, %mul3A_0, %dma_wait3A_63] : memref<2x10240x64xf32, #tpu.memory_space<hbm>> -> memref<1x640x64xf32, #tpu.memory_space<hbm>>
      %dma_wait3A_65 = tpu.memref_squeeze %dma_wait3A_64 : memref<1x640x64xf32, #tpu.memory_space<hbm>> -> memref<640x64xf32, #tpu.memory_space<hbm>>
      %dma_wait3A_66 = arith.constant 0 : i32
      %dma_wait3A_67 = tpu.memref_slice %arg17[%mul3A_0, %dma_wait3A_66] : memref<10240x64xf32, #tpu.memory_space<vmem_shared>> -> memref<640x64xf32, #tpu.memory_space<vmem_shared>>
      tpu.wait_dma2 semaphore(%run_scoped3A : memref<!tpu.dma_semaphore, #tpu.memory_space<semaphore_mem>>) src(%dma_wait3A_67 : memref<640x64xf32, #tpu.memory_space<vmem_shared>>) dst(%dma_wait3A_65 : memref<640x64xf32, #tpu.memory_space<hbm>>)
      tpu.yield
    }) : () -> ()
    "tpu.region"() ({
      %run_scoped3A = tpu.sem_alloc : memref<!tpu.dma_semaphore, #tpu.memory_space<semaphore_mem>>
      %dma_start3A_58 = arith.constant 0 : i32
      %dma_start3A_59 = tpu.memref_slice %arg8[%arg0, %mul3A_0, %dma_start3A_58] : memref<2x10240x8xf32, #tpu.memory_space<hbm>> -> memref<1x640x8xf32, #tpu.memory_space<hbm>>
      %dma_start3A_60 = tpu.memref_squeeze %dma_start3A_59 : memref<1x640x8xf32, #tpu.memory_space<hbm>> -> memref<640x8xf32, #tpu.memory_space<hbm>>
      %dma_start3A_61 = arith.constant 0 : i32
      %dma_start3A_62 = tpu.memref_slice %arg18[%mul3A_0, %dma_start3A_61] : memref<10240x8xf32, #tpu.memory_space<vmem_shared>> -> memref<640x8xf32, #tpu.memory_space<vmem_shared>>
      tpu.enqueue_dma source(%dma_start3A_62 : memref<640x8xf32, #tpu.memory_space<vmem_shared>>) target(%dma_start3A_60 : memref<640x8xf32, #tpu.memory_space<hbm>>) target_semaphore(%run_scoped3A : memref<!tpu.dma_semaphore, #tpu.memory_space<semaphore_mem>>)
      %dma_wait3A_63 = arith.constant 0 : i32
      %dma_wait3A_64 = tpu.memref_slice %arg8[%arg0, %mul3A_0, %dma_wait3A_63] : memref<2x10240x8xf32, #tpu.memory_space<hbm>> -> memref<1x640x8xf32, #tpu.memory_space<hbm>>
      %dma_wait3A_65 = tpu.memref_squeeze %dma_wait3A_64 : memref<1x640x8xf32, #tpu.memory_space<hbm>> -> memref<640x8xf32, #tpu.memory_space<hbm>>
      %dma_wait3A_66 = arith.constant 0 : i32
      %dma_wait3A_67 = tpu.memref_slice %arg18[%mul3A_0, %dma_wait3A_66] : memref<10240x8xf32, #tpu.memory_space<vmem_shared>> -> memref<640x8xf32, #tpu.memory_space<vmem_shared>>
      tpu.wait_dma2 semaphore(%run_scoped3A : memref<!tpu.dma_semaphore, #tpu.memory_space<semaphore_mem>>) src(%dma_wait3A_67 : memref<640x8xf32, #tpu.memory_space<vmem_shared>>) dst(%dma_wait3A_65 : memref<640x8xf32, #tpu.memory_space<hbm>>)
      tpu.yield
    }) : () -> ()
    return
  }
}

module attributes {stable_mosaic.version = 14 : i64} {
  func.func @_tc_layer1_body(%arg0: i32, %arg1: memref<2x2000x64xf32, #tpu.memory_space<vmem>>, %arg2: memref<2x2000x64xf32, #tpu.memory_space<vmem>>, %arg3: memref<1x2000x8xf32, #tpu.memory_space<vmem>>, %arg4: memref<128x128xf32, #tpu.memory_space<vmem>>, %arg5: memref<128x128xf32, #tpu.memory_space<vmem>>, %arg6: memref<1x128xf32, #tpu.memory_space<vmem>>, %arg7: memref<2x2000x64xbf16, #tpu.memory_space<vmem>>) attributes {dimension_semantics = [#tpu.dimension_semantics<arbitrary>], iteration_bounds = array<i64: 5>, scalar_prefetch = 0 : i64, scratch_operands = 0 : i64, tpu.core_type = #tpu.core_type<tc>, window_params = [{transform_indices = @transform_0, window_bounds = array<i64: 2, 2000, 64>}, {transform_indices = @transform_1, window_bounds = array<i64: 2, 2000, 64>}, {transform_indices = @transform_2, window_bounds = array<i64: 1, 2000, 8>}, {pipeline_mode = #tpu.pipeline_mode<synchronous>, transform_indices = @transform_3, window_bounds = array<i64: 128, 128>}, {pipeline_mode = #tpu.pipeline_mode<synchronous>, transform_indices = @transform_4, window_bounds = array<i64: 128, 128>}, {pipeline_mode = #tpu.pipeline_mode<synchronous>, transform_indices = @transform_5, window_bounds = array<i64: 1, 128>}, {transform_indices = @transform_6, window_bounds = array<i64: 2, 2000, 64>}]} {
    %get3A = arith.constant 0 : index
    %get3A_0 = arith.constant 0 : index
    %get3A_1 = arith.constant 0 : index
    %get3A_2 = vector.load %arg1[%get3A, %get3A_0, %get3A_1] : memref<2x2000x64xf32, #tpu.memory_space<vmem>>, vector<2x2000x64xf32>
    %get3A_3 = arith.constant 0 : index
    %get3A_4 = arith.constant 0 : index
    %get3A_5 = arith.constant 0 : index
    %get3A_6 = vector.load %arg2[%get3A_3, %get3A_4, %get3A_5] : memref<2x2000x64xf32, #tpu.memory_space<vmem>>, vector<2x2000x64xf32>
    %slice3A = vector.extract_strided_slice %get3A_2 {offsets = [0, 0, 0], sizes = [1, 2000, 64], strides = [1, 1, 1]} : vector<2x2000x64xf32> to vector<1x2000x64xf32>
    %squeeze3A = vector.shape_cast %slice3A : vector<1x2000x64xf32> to vector<2000x64xf32>
    %slice3A_7 = vector.extract_strided_slice %get3A_2 {offsets = [1, 0, 0], sizes = [1, 2000, 64], strides = [1, 1, 1]} : vector<2x2000x64xf32> to vector<1x2000x64xf32>
    %squeeze3A_8 = vector.shape_cast %slice3A_7 : vector<1x2000x64xf32> to vector<2000x64xf32>
    %concatenate3A = tpu.concatenate %squeeze3A, %squeeze3A_8 in 1 : vector<2000x64xf32>, vector<2000x64xf32> -> vector<2000x128xf32>
    %slice3A_9 = vector.extract_strided_slice %get3A_6 {offsets = [0, 0, 0], sizes = [1, 2000, 64], strides = [1, 1, 1]} : vector<2x2000x64xf32> to vector<1x2000x64xf32>
    %squeeze3A_10 = vector.shape_cast %slice3A_9 : vector<1x2000x64xf32> to vector<2000x64xf32>
    %slice3A_11 = vector.extract_strided_slice %get3A_6 {offsets = [1, 0, 0], sizes = [1, 2000, 64], strides = [1, 1, 1]} : vector<2x2000x64xf32> to vector<1x2000x64xf32>
    %squeeze3A_12 = vector.shape_cast %slice3A_11 : vector<1x2000x64xf32> to vector<2000x64xf32>
    %concatenate3A_13 = tpu.concatenate %squeeze3A_10, %squeeze3A_12 in 1 : vector<2000x64xf32>, vector<2000x64xf32> -> vector<2000x128xf32>
    %get3A_14 = arith.constant 0 : index
    %get3A_15 = arith.constant 0 : index
    %get3A_16 = arith.constant 0 : index
    %get3A_17 = vector.load %arg3[%get3A_14, %get3A_15, %get3A_16] : memref<1x2000x8xf32, #tpu.memory_space<vmem>>, vector<1x2000x1xf32>
    %get3A_18 = vector.shape_cast %get3A_17 : vector<1x2000x1xf32> to vector<2000x1xf32>
    %max3A = arith.constant 1.000000e+00 : f32
    %max3A_19 = vector.broadcast %max3A : f32 to vector<2000x1xf32>
    %max3A_20 = arith.maximumf %get3A_18, %max3A_19 : vector<2000x1xf32>
    %div3A = vector.broadcast %max3A_20 : vector<2000x1xf32> to vector<2000x128xf32>
    %div3A_21 = arith.divf %concatenate3A_13, %div3A : vector<2000x128xf32>
    %get3A_22 = arith.constant 0 : index
    %get3A_23 = arith.constant 0 : index
    %get3A_24 = vector.load %arg4[%get3A_22, %get3A_23] : memref<128x128xf32, #tpu.memory_space<vmem>>, vector<128x128xf32>
    %dot_general3A = arith.constant dense<0.000000e+00> : vector<2000x128xf32>
    %dot_general3A_25 = tpu.matmul %concatenate3A, %get3A_24, %dot_general3A {dimension_numbers = #tpu.dot_dimension_numbers<[1], [0], [0], [1], [0, 0, 1, 1], [], []>, transpose_lhs_hint = false} : vector<2000x128xf32>, vector<128x128xf32>, vector<2000x128xf32> -> vector<2000x128xf32>
    %get3A_26 = arith.constant 0 : index
    %get3A_27 = arith.constant 0 : index
    %get3A_28 = vector.load %arg5[%get3A_26, %get3A_27] : memref<128x128xf32, #tpu.memory_space<vmem>>, vector<128x128xf32>
    %dot_general3A_29 = arith.constant dense<0.000000e+00> : vector<2000x128xf32>
    %dot_general3A_30 = tpu.matmul %div3A_21, %get3A_28, %dot_general3A_29 {dimension_numbers = #tpu.dot_dimension_numbers<[1], [0], [0], [1], [0, 0, 1, 1], [], []>, transpose_lhs_hint = false} : vector<2000x128xf32>, vector<128x128xf32>, vector<2000x128xf32> -> vector<2000x128xf32>
    %add3A = arith.addf %dot_general3A_25, %dot_general3A_30 : vector<2000x128xf32>
    %get3A_31 = arith.constant 0 : index
    %get3A_32 = arith.constant 0 : index
    %get3A_33 = vector.load %arg6[%get3A_31, %get3A_32] : memref<1x128xf32, #tpu.memory_space<vmem>>, vector<1x128xf32>
    %add3A_34 = vector.broadcast %get3A_33 : vector<1x128xf32> to vector<2000x128xf32>
    %add3A_35 = arith.addf %add3A, %add3A_34 : vector<2000x128xf32>
    %max3A_36 = arith.constant 0.000000e+00 : f32
    %max3A_37 = vector.broadcast %max3A_36 : f32 to vector<2000x128xf32>
    %max3A_38 = arith.maximumf %add3A_35, %max3A_37 : vector<2000x128xf32>
    %slice3A_39 = vector.extract_strided_slice %max3A_38 {offsets = [0, 0], sizes = [2000, 64], strides = [1, 1]} : vector<2000x128xf32> to vector<2000x64xf32>
    %slice3A_40 = vector.extract_strided_slice %max3A_38 {offsets = [0, 64], sizes = [2000, 64], strides = [1, 1]} : vector<2000x128xf32> to vector<2000x64xf32>
    %stack3A = vector.shape_cast %slice3A_39 : vector<2000x64xf32> to vector<1x2000x64xf32>
    %stack3A_41 = vector.shape_cast %slice3A_40 : vector<2000x64xf32> to vector<1x2000x64xf32>
    %stack3A_42 = tpu.concatenate %stack3A, %stack3A_41 in 0 : vector<1x2000x64xf32>, vector<1x2000x64xf32> -> vector<2x2000x64xf32>
    %convert_element_type3A = arith.truncf %stack3A_42 : vector<2x2000x64xf32> to vector<2x2000x64xbf16>
    %swap3A = arith.constant 0 : index
    %swap3A_43 = arith.constant 0 : index
    %swap3A_44 = arith.constant 0 : index
    %swap3A_45 = vector.load %arg7[%swap3A, %swap3A_43, %swap3A_44] : memref<2x2000x64xbf16, #tpu.memory_space<vmem>>, vector<2x2000x64xbf16>
    tpu.vector_store %arg7[%swap3A, %swap3A_43, %swap3A_44], %convert_element_type3A {strides = array<i32>} : memref<2x2000x64xbf16, #tpu.memory_space<vmem>>, vector<2x2000x64xbf16>,
    return
  }
  func.func @transform_0(%arg0: i32) -> (i32, i32, i32) {
    %c0_i32 = arith.constant 0 : i32
    %c0_i32_0 = arith.constant 0 : i32
    %c0_i32_1 = arith.constant 0 : i32
    return %c0_i32, %arg0, %c0_i32_0 : i32, i32, i32
  }
  func.func @transform_1(%arg0: i32) -> (i32, i32, i32) {
    %c0_i32 = arith.constant 0 : i32
    %c0_i32_0 = arith.constant 0 : i32
    %c0_i32_1 = arith.constant 0 : i32
    return %c0_i32, %arg0, %c0_i32_0 : i32, i32, i32
  }
  func.func @transform_2(%arg0: i32) -> (i32, i32, i32) {
    %c0_i32 = arith.constant 0 : i32
    %c0_i32_0 = arith.constant 0 : i32
    %c0_i32_1 = arith.constant 0 : i32
    return %c0_i32, %arg0, %c0_i32_0 : i32, i32, i32
  }
  func.func @transform_3(%arg0: i32) -> (i32, i32) {
    %c0_i32 = arith.constant 0 : i32
    %c0_i32_0 = arith.constant 0 : i32
    %c0_i32_1 = arith.constant 0 : i32
    return %c0_i32, %c0_i32_0 : i32, i32
  }
  func.func @transform_4(%arg0: i32) -> (i32, i32) {
    %c0_i32 = arith.constant 0 : i32
    %c0_i32_0 = arith.constant 0 : i32
    %c0_i32_1 = arith.constant 0 : i32
    return %c0_i32, %c0_i32_0 : i32, i32
  }
  func.func @transform_5(%arg0: i32) -> (i32, i32) {
    %c0_i32 = arith.constant 0 : i32
    %c0_i32_0 = arith.constant 0 : i32
    %c0_i32_1 = arith.constant 0 : i32
    return %c0_i32, %c0_i32_0 : i32, i32
  }
  func.func @transform_6(%arg0: i32) -> (i32, i32, i32) {
    %c0_i32 = arith.constant 0 : i32
    %c0_i32_0 = arith.constant 0 : i32
    %c0_i32_1 = arith.constant 0 : i32
    return %c0_i32, %arg0, %c0_i32_0 : i32, i32, i32
  }
}

module attributes {stable_mosaic.version = 14 : i64} {
  func.func @_tc_layer2_body(%arg0: i32, %arg1: memref<2x2000x64xbf16, #tpu.memory_space<vmem>>, %arg2: memref<2x2000x64xf32, #tpu.memory_space<vmem>>, %arg3: memref<1x2000x8xf32, #tpu.memory_space<vmem>>, %arg4: memref<128x128xf32, #tpu.memory_space<vmem>>, %arg5: memref<128x128xf32, #tpu.memory_space<vmem>>, %arg6: memref<1x128xf32, #tpu.memory_space<vmem>>, %arg7: memref<128x10xf32, #tpu.memory_space<vmem>>, %arg8: memref<1x10xf32, #tpu.memory_space<vmem>>, %arg9: memref<1x10xf32, #tpu.memory_space<vmem>>, %arg10: memref<1x128xf32, #tpu.memory_space<vmem>>) attributes {dimension_semantics = [#tpu.dimension_semantics<arbitrary>], iteration_bounds = array<i64: 5>, scalar_prefetch = 0 : i64, scratch_operands = 1 : i64, tpu.core_type = #tpu.core_type<tc>, window_params = [{transform_indices = @transform_0, window_bounds = array<i64: 2, 2000, 64>}, {transform_indices = @transform_1, window_bounds = array<i64: 2, 2000, 64>}, {transform_indices = @transform_2, window_bounds = array<i64: 1, 2000, 8>}, {pipeline_mode = #tpu.pipeline_mode<synchronous>, transform_indices = @transform_3, window_bounds = array<i64: 128, 128>}, {pipeline_mode = #tpu.pipeline_mode<synchronous>, transform_indices = @transform_4, window_bounds = array<i64: 128, 128>}, {pipeline_mode = #tpu.pipeline_mode<synchronous>, transform_indices = @transform_5, window_bounds = array<i64: 1, 128>}, {pipeline_mode = #tpu.pipeline_mode<synchronous>, transform_indices = @transform_6, window_bounds = array<i64: 128, 10>}, {pipeline_mode = #tpu.pipeline_mode<synchronous>, transform_indices = @transform_7, window_bounds = array<i64: 1, 10>}, {pipeline_mode = #tpu.pipeline_mode<synchronous>, transform_indices = @transform_8, window_bounds = array<i64: 1, 10>}]} {
    %get3A = arith.constant 0 : index
    %get3A_0 = arith.constant 0 : index
    %get3A_1 = arith.constant 0 : index
    %get3A_2 = vector.load %arg1[%get3A, %get3A_0, %get3A_1] : memref<2x2000x64xbf16, #tpu.memory_space<vmem>>, vector<2x2000x64xbf16>
    %get3A_3 = arith.constant 0 : index
    %get3A_4 = arith.constant 0 : index
    %get3A_5 = arith.constant 0 : index
    %get3A_6 = vector.load %arg2[%get3A_3, %get3A_4, %get3A_5] : memref<2x2000x64xf32, #tpu.memory_space<vmem>>, vector<2x2000x64xf32>
    %slice3A = vector.extract_strided_slice %get3A_2 {offsets = [0, 0, 0], sizes = [1, 2000, 64], strides = [1, 1, 1]} : vector<2x2000x64xbf16> to vector<1x2000x64xbf16>
    %squeeze3A = vector.shape_cast %slice3A : vector<1x2000x64xbf16> to vector<2000x64xbf16>
    %slice3A_7 = vector.extract_strided_slice %get3A_2 {offsets = [1, 0, 0], sizes = [1, 2000, 64], strides = [1, 1, 1]} : vector<2x2000x64xbf16> to vector<1x2000x64xbf16>
    %squeeze3A_8 = vector.shape_cast %slice3A_7 : vector<1x2000x64xbf16> to vector<2000x64xbf16>
    %concatenate3A = tpu.concatenate %squeeze3A, %squeeze3A_8 in 1 : vector<2000x64xbf16>, vector<2000x64xbf16> -> vector<2000x128xbf16>
    %convert_element_type3A = arith.extf %concatenate3A : vector<2000x128xbf16> to vector<2000x128xf32>
    %slice3A_9 = vector.extract_strided_slice %get3A_6 {offsets = [0, 0, 0], sizes = [1, 2000, 64], strides = [1, 1, 1]} : vector<2x2000x64xf32> to vector<1x2000x64xf32>
    %squeeze3A_10 = vector.shape_cast %slice3A_9 : vector<1x2000x64xf32> to vector<2000x64xf32>
    %slice3A_11 = vector.extract_strided_slice %get3A_6 {offsets = [1, 0, 0], sizes = [1, 2000, 64], strides = [1, 1, 1]} : vector<2x2000x64xf32> to vector<1x2000x64xf32>
    %squeeze3A_12 = vector.shape_cast %slice3A_11 : vector<1x2000x64xf32> to vector<2000x64xf32>
    %concatenate3A_13 = tpu.concatenate %squeeze3A_10, %squeeze3A_12 in 1 : vector<2000x64xf32>, vector<2000x64xf32> -> vector<2000x128xf32>
    %get3A_14 = arith.constant 0 : index
    %get3A_15 = arith.constant 0 : index
    %get3A_16 = arith.constant 0 : index
    %get3A_17 = vector.load %arg3[%get3A_14, %get3A_15, %get3A_16] : memref<1x2000x8xf32, #tpu.memory_space<vmem>>, vector<1x2000x1xf32>
    %get3A_18 = vector.shape_cast %get3A_17 : vector<1x2000x1xf32> to vector<2000x1xf32>
    %max3A = arith.constant 1.000000e+00 : f32
    %max3A_19 = vector.broadcast %max3A : f32 to vector<2000x1xf32>
    %max3A_20 = arith.maximumf %get3A_18, %max3A_19 : vector<2000x1xf32>
    %div3A = vector.broadcast %max3A_20 : vector<2000x1xf32> to vector<2000x128xf32>
    %div3A_21 = arith.divf %concatenate3A_13, %div3A : vector<2000x128xf32>
    %get3A_22 = arith.constant 0 : index
    %get3A_23 = arith.constant 0 : index
    %get3A_24 = vector.load %arg4[%get3A_22, %get3A_23] : memref<128x128xf32, #tpu.memory_space<vmem>>, vector<128x128xf32>
    %dot_general3A = arith.constant dense<0.000000e+00> : vector<2000x128xf32>
    %dot_general3A_25 = tpu.matmul %convert_element_type3A, %get3A_24, %dot_general3A {dimension_numbers = #tpu.dot_dimension_numbers<[1], [0], [0], [1], [0, 0, 1, 1], [], []>, transpose_lhs_hint = false} : vector<2000x128xf32>, vector<128x128xf32>, vector<2000x128xf32> -> vector<2000x128xf32>
    %get3A_26 = arith.constant 0 : index
    %get3A_27 = arith.constant 0 : index
    %get3A_28 = vector.load %arg5[%get3A_26, %get3A_27] : memref<128x128xf32, #tpu.memory_space<vmem>>, vector<128x128xf32>
    %dot_general3A_29 = arith.constant dense<0.000000e+00> : vector<2000x128xf32>
    %dot_general3A_30 = tpu.matmul %div3A_21, %get3A_28, %dot_general3A_29 {dimension_numbers = #tpu.dot_dimension_numbers<[1], [0], [0], [1], [0, 0, 1, 1], [], []>, transpose_lhs_hint = false} : vector<2000x128xf32>, vector<128x128xf32>, vector<2000x128xf32> -> vector<2000x128xf32>
    %add3A = arith.addf %dot_general3A_25, %dot_general3A_30 : vector<2000x128xf32>
    %get3A_31 = arith.constant 0 : index
    %get3A_32 = arith.constant 0 : index
    %get3A_33 = vector.load %arg6[%get3A_31, %get3A_32] : memref<1x128xf32, #tpu.memory_space<vmem>>, vector<1x128xf32>
    %add3A_34 = vector.broadcast %get3A_33 : vector<1x128xf32> to vector<2000x128xf32>
    %add3A_35 = arith.addf %add3A, %add3A_34 : vector<2000x128xf32>
    %max3A_36 = arith.constant 0.000000e+00 : f32
    %max3A_37 = vector.broadcast %max3A_36 : f32 to vector<2000x128xf32>
    %max3A_38 = arith.maximumf %add3A_35, %max3A_37 : vector<2000x128xf32>
    %eq3A = arith.constant 0 : i32
    %eq3A_39 = arith.cmpi eq, %arg0, %eq3A : i32
    %convert_element_type3A_40 = arith.extui %eq3A_39 : i1 to i32
    %cond3A = arith.constant 0 : i32
    %cond3A_41 = arith.cmpi ne, %convert_element_type3A_40, %cond3A : i32
    scf.if %cond3A_41 {
      %broadcast_in_dim3A_54 = arith.constant 0.000000e+00 : f32
      %broadcast_in_dim3A_55 = vector.broadcast %broadcast_in_dim3A_54 : f32 to vector<1x128xf32>
      %swap3A_56 = arith.constant 0 : index
      %swap3A_57 = arith.constant 0 : index
      %swap3A_58 = vector.load %arg10[%swap3A_56, %swap3A_57] : memref<1x128xf32, #tpu.memory_space<vmem>>, vector<1x128xf32>
      tpu.vector_store %arg10[%swap3A_56, %swap3A_57], %broadcast_in_dim3A_55 {strides = array<i32>} : memref<1x128xf32, #tpu.memory_space<vmem>>, vector<1x128xf32>,
    } else {
    }
    %get3A_42 = arith.constant 0 : index
    %get3A_43 = arith.constant 0 : index
    %get3A_44 = vector.load %arg10[%get3A_42, %get3A_43] : memref<1x128xf32, #tpu.memory_space<vmem>>, vector<1x128xf32>
    %reduce_sum3A = arith.constant dense<0.000000e+00> : vector<128xf32>
    %reduce_sum3A_45 = vector.multi_reduction <add>, %max3A_38, %reduce_sum3A [0] : vector<2000x128xf32> to vector<128xf32>
    %broadcast_in_dim3A = vector.shape_cast %reduce_sum3A_45 : vector<128xf32> to vector<1x128xf32>
    %add3A_46 = arith.addf %get3A_44, %broadcast_in_dim3A : vector<1x128xf32>
    %swap3A = arith.constant 0 : index
    %swap3A_47 = arith.constant 0 : index
    %swap3A_48 = vector.load %arg10[%swap3A, %swap3A_47] : memref<1x128xf32, #tpu.memory_space<vmem>>, vector<1x128xf32>
    tpu.vector_store %arg10[%swap3A, %swap3A_47], %add3A_46 {strides = array<i32>} : memref<1x128xf32, #tpu.memory_space<vmem>>, vector<1x128xf32>,
    %eq3A_49 = arith.constant 4 : i32
    %eq3A_50 = arith.cmpi eq, %arg0, %eq3A_49 : i32
    %convert_element_type3A_51 = arith.extui %eq3A_50 : i1 to i32
    %cond3A_52 = arith.constant 0 : i32
    %cond3A_53 = arith.cmpi ne, %convert_element_type3A_51, %cond3A_52 : i32
    scf.if %cond3A_53 {
      %get3A_54 = arith.constant 0 : index
      %get3A_55 = arith.constant 0 : index
      %get3A_56 = vector.load %arg10[%get3A_54, %get3A_55] : memref<1x128xf32, #tpu.memory_space<vmem>>, vector<1x128xf32>
      %mul3A = arith.constant 9.99999974E-5 : f32
      %mul3A_57 = vector.broadcast %mul3A : f32 to vector<1x128xf32>
      %mul3A_58 = arith.mulf %get3A_56, %mul3A_57 : vector<1x128xf32>
      %get3A_59 = arith.constant 0 : index
      %get3A_60 = arith.constant 0 : index
      %get3A_61 = vector.load %arg7[%get3A_59, %get3A_60] : memref<128x10xf32, #tpu.memory_space<vmem>>, vector<128x10xf32>
      %dot_general3A_62 = arith.constant dense<0.000000e+00> : vector<1x10xf32>
      %dot_general3A_63 = tpu.matmul %mul3A_58, %get3A_61, %dot_general3A_62 {dimension_numbers = #tpu.dot_dimension_numbers<[1], [0], [0], [1], [0, 0, 1, 1], [], []>, transpose_lhs_hint = false} : vector<1x128xf32>, vector<128x10xf32>, vector<1x10xf32> -> vector<1x10xf32>
      %get3A_64 = arith.constant 0 : index
      %get3A_65 = arith.constant 0 : index
      %get3A_66 = vector.load %arg8[%get3A_64, %get3A_65] : memref<1x10xf32, #tpu.memory_space<vmem>>, vector<1x10xf32>
      %add3A_67 = arith.addf %dot_general3A_63, %get3A_66 : vector<1x10xf32>
      %swap3A_68 = arith.constant 0 : index
      %swap3A_69 = arith.constant 0 : index
      %swap3A_70 = vector.load %arg9[%swap3A_68, %swap3A_69] : memref<1x10xf32, #tpu.memory_space<vmem>>, vector<1x10xf32>
      tpu.vector_store %arg9[%swap3A_68, %swap3A_69], %add3A_67 {strides = array<i32>} : memref<1x10xf32, #tpu.memory_space<vmem>>, vector<1x10xf32>,
    } else {
    }
    return
  }
  func.func @transform_0(%arg0: i32) -> (i32, i32, i32) {
    %c0_i32 = arith.constant 0 : i32
    %c0_i32_0 = arith.constant 0 : i32
    %c0_i32_1 = arith.constant 0 : i32
    return %c0_i32, %arg0, %c0_i32_0 : i32, i32, i32
  }
  func.func @transform_1(%arg0: i32) -> (i32, i32, i32) {
    %c0_i32 = arith.constant 0 : i32
    %c0_i32_0 = arith.constant 0 : i32
    %c0_i32_1 = arith.constant 0 : i32
    return %c0_i32, %arg0, %c0_i32_0 : i32, i32, i32
  }
  func.func @transform_2(%arg0: i32) -> (i32, i32, i32) {
    %c0_i32 = arith.constant 0 : i32
    %c0_i32_0 = arith.constant 0 : i32
    %c0_i32_1 = arith.constant 0 : i32
    return %c0_i32, %arg0, %c0_i32_0 : i32, i32, i32
  }
  func.func @transform_3(%arg0: i32) -> (i32, i32) {
    %c0_i32 = arith.constant 0 : i32
    %c0_i32_0 = arith.constant 0 : i32
    %c0_i32_1 = arith.constant 0 : i32
    return %c0_i32, %c0_i32_0 : i32, i32
  }
  func.func @transform_4(%arg0: i32) -> (i32, i32) {
    %c0_i32 = arith.constant 0 : i32
    %c0_i32_0 = arith.constant 0 : i32
    %c0_i32_1 = arith.constant 0 : i32
    return %c0_i32, %c0_i32_0 : i32, i32
  }
  func.func @transform_5(%arg0: i32) -> (i32, i32) {
    %c0_i32 = arith.constant 0 : i32
    %c0_i32_0 = arith.constant 0 : i32
    %c0_i32_1 = arith.constant 0 : i32
    return %c0_i32, %c0_i32_0 : i32, i32
  }
  func.func @transform_6(%arg0: i32) -> (i32, i32) {
    %c0_i32 = arith.constant 0 : i32
    %c0_i32_0 = arith.constant 0 : i32
    %c0_i32_1 = arith.constant 0 : i32
    return %c0_i32, %c0_i32_0 : i32, i32
  }
  func.func @transform_7(%arg0: i32) -> (i32, i32) {
    %c0_i32 = arith.constant 0 : i32
    %c0_i32_0 = arith.constant 0 : i32
    %c0_i32_1 = arith.constant 0 : i32
    return %c0_i32, %c0_i32_0 : i32, i32
  }
  func.func @transform_8(%arg0: i32) -> (i32, i32) {
    %c0_i32 = arith.constant 0 : i32
    %c0_i32_0 = arith.constant 0 : i32
    %c0_i32_1 = arith.constant 0 : i32
    return %c0_i32, %c0_i32_0 : i32, i32
  }
}

</mosaic_0001>

<sc_bundles>
// kernel: kernel.6.cloned.1.call-start
scs
__scs_entry_jumppad:
0x0: {  	(pc) =	sbr.rel $0x88, $3  }
0x1: {  	(tag) =	ssettag $0x0;
	lr =	simm.s32 $0x1  }
0x2: {  	[smem:$0x3F97] =	sst lr;
	_ =	strace $0xD0000000  }
0x3: {  	_ = 	snop  }
0x4: {  	_ = 	snop  }
0x5: {  	_ = 	snop  }
0x6: {  	_ = 	snop  }
0x7: {  	_ = 	snop  }
__scs_overlays_trampoline_lowered:
0x8: {  	[smem:$0x3FA6] =	sst s0  }
0x9: {  	[smem:$0x3FA7] =	sst s1  }
0xa: {  	[smem:$0x3FA8] =	sst s2  }
0xb: {  	[smem:$0x3FA9] =	sst s3  }
0xc: {  	[smem:$0x3FAA] =	sst s4  }
0xd: {  	[smem:$0x3FAB] =	sst s5  }
0xe: {  	[smem:$0x3FAC] =	sst s6  }
0xf: {  	[smem:$0x3FAD] =	sst s7  }
0x10: {  	[smem:$0x3FAE] =	sst s8  }
0x11: {  	[smem:$0x3FAF] =	sst s9;
	s0 =	simm.s32 @!p0 $0x0  }
0x12: {  	s1 =	sld [smem:$0x3F95];
	s0 =	simm.s32 @p0 $0x1  }
0x13: {  	[smem:$0x3FB0] =	sst s0;
	s0 =	simm.s32 @!p1 $0x0  }
0x14: {  	s2 =	sld [smem:$0x3F94];
	s0 =	simm.s32 @p1 $0x1  }
0x15: {  	[smem:$0x3FB1] =	sst s0;
	s0 =	simm.s32 @!p2 $0x0  }
0x16: {  	s3 =	sld [smem:$0x3FDB];
	s0 =	simm.s32 @p2 $0x1  }
0x17: {  	s4 =	simm.s32 $0x1BF5;
	[smem:$0x3FB3] =	sst s0  }
0x18: {  	s0 =	sld [smem:$0x3F96];
	_ =	swait.ge [sflag:s4], $0x0  }
0x19: {  	s7 =	sld [smem:$0x3F97]  }
0x1a: {  	s8 =	sadd.s32 $0xFFFFE003, lr  }
0x1b: {  	s9 =	sadd.s32 $0xFFFFFEF7, lr;
	s5 =	simm.s32 $0xFFFFFFFF;
	p2 =	slt.u32 s8, $0xFFFFF086  }
0x1c: {  	p1 =	slt.u32 s9, $0xF7A;
	s5 =	simm.s32 @!p2 $0x0  }
0x1d: {  	s5 =	simm.s32 @p1 $0x1;
	p0 =	seq.s32 s7, s2  }
0x1e: {  	s7 =	smul.u32 @!p0 $0xF7A, s2;
	p2 =	seq.s32 @!p0 s5, $0x0  }
0x1f: {  	s9 =	smul.u32 $0xF7A, s1;
	s8 =	simm.s32 @!p0 $0x1BF5;
	p2 =	por !p2, p0  }
0x20: {  	[sflag:s8] =	ssyncset.s32 @!p0 $0xFFFFF086;
	s6 =	sadd.s32 @!p0 s3, s7;
	s7 =	simm.s32 @!p0 $0x108  }
0x21: {  	s3 =	sadd.s32 s3, s9;
	s6 =	sadd.s32 @!p0 $0x88, s6;
	s7 =	simm.s32 @p2 $0x1082  }
0x22: {  	[simem:s7], [sflag:s8] =	dma.local @!p0 [hbm:s6], $0xF7A  }
0x23: {  	s9 =	sor.u32 $0xD0000000, s2;
	s6 =	simm.s32 $0x108;
	_ =	swait.ge @!p0 [sflag:s8], $0x0  }
0x24: {  	s3 =	sadd.s32 $0x88, s3;
	s6 =	simm.s32 @!p1 $0x1082;
	[sflag:s4] =	ssyncset.s32 $0xFFFFF086  }
0x25: {  	[simem:s6], [sflag:s4] =	dma.local [hbm:s3], $0xF7A  }
0x26: {  	[smem:$0x3F97] =	sst s1;
	(tag) =	ssettag s2;
	_ =	strace s9  }
0x27: {  	s1 =	sld [smem:$0x3FA7]  }
0x28: {  	s2 =	sld [smem:$0x3FA8]  }
0x29: {  	s4 =	sld [smem:$0x3FAA]  }
0x2a: {  	p0 =	seq.s32 s5, $0x0;
	s5 =	sld [smem:$0x3FAB]  }
0x2b: {  	s6 =	sld [smem:$0x3FAC]  }
0x2c: {  	s7 =	sld [smem:$0x3FAD]  }
0x2d: {  	s3 =	simm.s32 $0x108;
	s8 =	sld [smem:$0x3FAE]  }
0x2e: {  	s3 =	simm.s32 @!p0 $0x1082;
	s9 =	sld [smem:$0x3FAF]  }
0x2f: {  	lr =	sadd.s32 s0, s3;
	s0 =	sld [smem:$0x3FA6]  }
0x30: {  	s3 =	sld [smem:$0x3FA9]  }
0x31: {  	[smem:$0x3FB2] =	sst s10  }
0x32: {  	s10 =	sld [smem:$0x3FB0];
	_ =	sdelay $0x3  }
0x33: {  	p0 =	seq.s32 s10, $0x1;
	s10 =	sld [smem:$0x3FB2];
	_ =	sdelay $0x3  }
0x34: {  	[smem:$0x3FB2] =	sst s10  }
0x35: {  	s10 =	sld [smem:$0x3FB1];
	_ =	sdelay $0x3  }
0x36: {  	p1 =	seq.s32 s10, $0x1;
	s10 =	sld [smem:$0x3FB2];
	_ =	sdelay $0x3  }
0x37: {  	[smem:$0x3FB2] =	sst s10  }
0x38: {  	s10 =	sld [smem:$0x3FB3]  }
0x39: {  	_ = 	snop;
	(pc) =	sbr.ind lr, $3  }
0x3a: {  	_ = 	snop  }
0x3b: {  	_ = 	snop  }
0x3c: {  	p2 =	seq.s32 s10, $0x1;
	s10 =	sld [smem:$0x3FB2]  }
0x3d: {  	_ =	shalt  }
0x3e: {  	_ =	shalt  }
0x3f: {  	_ =	shalt  }
0x40: {  	_ =	shalt  }
0x41: {  	_ =	shalt  }
0x42: {  	_ =	shalt  }
0x43: {  	_ =	shalt  }
0x44: {  	_ =	shalt  }
0x45: {  	_ =	shalt  }
0x46: {  	_ =	shalt  }
0x47: {  	_ =	shalt  }
0x48: {  	_ =	shalt  }
0x49: {  	_ =	shalt  }
0x4a: {  	_ =	shalt  }
0x4b: {  	_ =	shalt  }
0x4c: {  	_ =	shalt  }
0x4d: {  	_ =	shalt  }
0x4e: {  	_ =	shalt  }
0x4f: {  	_ =	shalt  }
0x50: {  	_ =	shalt  }
0x51: {  	_ =	shalt  }
0x52: {  	_ =	shalt  }
0x53: {  	_ =	shalt  }
0x54: {  	_ =	shalt  }
0x55: {  	_ =	shalt  }
0x56: {  	_ =	shalt  }
0x57: {  	_ =	shalt  }
0x58: {  	_ =	shalt  }
0x59: {  	_ =	shalt  }
0x5a: {  	_ =	shalt  }
0x5b: {  	_ =	shalt  }
0x5c: {  	_ =	shalt  }
0x5d: {  	_ =	shalt  }
0x5e: {  	_ =	shalt  }
0x5f: {  	_ =	shalt  }
0x60: {  	_ =	shalt  }
0x61: {  	_ =	shalt  }
0x62: {  	_ =	shalt  }
0x63: {  	_ =	shalt  }
0x64: {  	_ =	shalt  }
0x65: {  	_ =	shalt  }
0x66: {  	_ =	shalt  }
0x67: {  	_ =	shalt  }
0x68: {  	_ =	shalt  }
0x69: {  	_ =	shalt  }
0x6a: {  	_ =	shalt  }
0x6b: {  	_ =	shalt  }
0x6c: {  	_ =	shalt  }
0x6d: {  	_ =	shalt  }
0x6e: {  	_ =	shalt  }
0x6f: {  	_ =	shalt  }
0x70: {  	_ =	shalt  }
0x71: {  	_ =	shalt  }
0x72: {  	_ =	shalt  }
0x73: {  	_ =	shalt  }
0x74: {  	_ =	shalt  }
0x75: {  	_ =	shalt  }
0x76: {  	_ =	shalt  }
0x77: {  	_ =	shalt  }
0x78: {  	_ =	shalt  }
0x79: {  	_ =	shalt  }
0x7a: {  	_ =	shalt  }
0x7b: {  	_ =	shalt  }
0x7c: {  	_ =	shalt  }
0x7d: {  	_ =	shalt  }
0x7e: {  	_ =	shalt  }
0x7f: {  	_ =	shalt  }
0x80: {  	_ =	shalt  }
0x81: {  	_ =	shalt  }
0x82: {  	_ =	shalt  }
0x83: {  	_ =	shalt  }
0x84: {  	_ =	shalt  }
0x85: {  	_ =	shalt  }
0x86: {  	_ =	shalt  }
0x87: {  	_ =	shalt  }
.Lfunc_end0:
.L_simem_size_0:
called_computation_lowered:
.L_overlay_start_0:
0x88: {  	s2 =	sld [smem:$0x3FD9]  }
0x89: {  	s3 =	sld [smem:$0x3FFE];
	_ =	sdelay $0x1  }
0x8a: {  	s1 =	srdreg.scid  }
0x8b: {  	s0 =	sand.u32 $0x1, s1  }
0x8c: {  	s16 =	sshll.u32 s0, $0xA;
	s2 =	sadd.s32 s3, s2  }
0x8d: {  	s2 =	sadd.s32 s2, s16  }
0x8e: {  	[smem:$0x3FBE] =	sst s2  }
0x8f: {  	_ = 	snop  }
0x90: {  	(tm) =	ssettm $0x1  }
0x91: {  	s17 =	sld [smem:$0x3FFB];
	_ =	sdelay $0x3  }
0x92: {  	_ =	strace s17  }
0x93: {  	s2 =	sld [smem:$0x3FFC];
	_ =	sdelay $0x3  }
0x94: {  	_ =	strace s2  }
0x95: {  	s2 =	sld [smem:$0x3FFD];
	_ =	sdelay $0x3  }
0x96: {  	_ =	strace s2  }
0x97: {  	_ =	strace $0x8FFFFFFF  }
0x98: {  	s18 =	sld [smem:$0x3FDB];
	_ =	sdelay $0x1  }
0x99: {  	s19 =	simm.s32 $_scs_section_size  }
0x9a: {  	s4 =	simm.s32 $_size__tile_overlayer_lowered;
	s5 =	simm.s32 $_tile_overlayer_lowered  }
0x9b: {  	s22 =	simm.s32 $0x1BFF;
	s21 =	sshll.u32 s5, $0x1;
	s2 =	sadd.s32 s19, s18  }
0x9c: {  	s6 =	simm.s32 $0x0;
	s20 =	sshll.u32 s4, $0x1;
	s4 =	sadd.s32 s21, s2  }
0x9d: {  	[timem:s6], [sflag:s22] =	dma.local [hbm:s4], s20  }
0x9e: {  	_ =	swait.ge [sflag:s22], s20  }
0x9f: {  	s3 =	ssub.s32 $0x0, s20;
	[sflag:s22] =	ssyncset.done $0x0  }
0xa0: {  	[sflag:s22] =	ssyncadd.s32 s3;
	_ =	sdelay $0x1  }
0xa1: {  	s23 =	simm.s32 $0x1B8B  }
0xa2: {  	_ =	swait.ge [sflag:s23], $0x1  }
0xa3: {  	[sflag:s23] =	ssyncset.done $0x0  }
0xa4: {  	s25 =	simm.s32 $0x1B8E;
	s24 =	sld [smem:$0x3FFE];
	[sflag:s23] =	ssyncadd.s32 $0xFFFFFFFF  }
0xa5: {  	s26 =	simm.s32 $execute0_lowered;
	[smem:$0x3FD2] =	sst s25  }
0xa6: {  	s4 =	sshll.u32 s26, $0x1;
	_ =	strace $0x80000046;
	[dreg:$0x1] =	wrdreg $0xFFFFFFFF  }
0xa7: {  	s28 =	simm.s32 $_size_execute0_lowered;
	s2 =	sadd.s32 s2, s4;
	[dreg:$0x0] =	wrdreg $0x0  }
0xa8: {  	s4 =	sshll.u32 s28, $0x1;
	[dreg:$0x2] =	wrdreg s2  }
0xa9: {  	[dreg:$0x3] =	wrdreg s4  }
0xaa: {  	[dreg:$0x4] =	wrdreg $0xC0  }
0xab: {  	_ =	task [dreg:s6], $0x5FFFF  }
0xac: {  	[dreg:$0x1] =	wrdreg $0xFFFFFFFF  }
0xad: {  	[dreg:$0x0] =	wrdreg $0x60  }
0xae: {  	[dreg:$0x2] =	wrdreg s24  }
0xaf: {  	[dreg:$0x3] =	wrdreg $0x1C4000  }
0xb0: {  	[dreg:$0x4] =	wrdreg $0x124000  }
0xb1: {  	[dreg:$0x5] =	wrdreg $0x9  }
0xb2: {  	_ =	task.clear_ibuf [dreg:s6], $0x6FFFF;
	_ =	strace $0x90000046  }
0xb3: {  	s29 =	simm.s32 $0x9;
	_ =	strace $0x80000048  }
0xb4: {  	_ =	swait.ge [sflag:s29], $0x1  }
0xb5: {  	[sflag:s29] =	ssyncadd.s32 $0xFFFFFFFF  }
0xb6: {  	_ =	strace $0x90000048  }
0xb7: {  	_ =	sfence  }
0xb8: {  	s30 =	sld [smem:$0x0];
	_ =	sdelay $0x2  }
0xb9: {  	s31 =	sshll.u32 s1, $0xD;
	s1 =	sshrl.u32 s1, $0x2  }
0xba: {  	s3 =	sand.u32 $0x4000, s31;
	s1 =	sadd.s32 s1, s30  }
0xbb: {  	s0 =	sor.u32 s3, s0;
	s1 =	sshll.u32 s1, $0x11  }
0xbc: {  	s0 =	sor.u32 s1, s0  }
0xbd: {  	s0 =	sadd.s32 $0x8F2B, s0  }
0xbe: {  	[sflag:s0] =	ssyncadd.remote.s32 $0x1  }
0xbf: {  	_ =	sfence.sel $0xFFFF  }
0xc0: {  	[dreg:$0x0] =	wrdreg $0xFFFFFFFF;
	(pc) =	sbr.abs _section_cstart, $3  }
0xc1: {  	[dreg:$0x1] =	wrdreg $0xFFFFFFFF  }
0xc2: {  	_ =	task.clear_ibuf [dreg:s6], $0x2FFFF;
	_ =	strace $0x9FFFFFFF  }
0xc3: {  	(tm) =	ssettm $0x7FFFFFFF  }
tec
execute0_lowered:
.L_overlay_start_1:
0x0: {  	(tag) =	ssettag $0x1  }
0x1: {  	s0 =	rddreg [dreg:$0x0]  }
0x2: {  	s2 =	rddreg [dreg:$0x1]  }
0x3: {  	s3 =	rddreg [dreg:$0x2];
	s12 =	stileid.u32  }
0x4: {  	s1 =	srdreg.scid;
	s6 =	smul.u32 $0x5000, s12  }
0x5: {  	s4 =	simm.s32 $0x0;
	s28 =	simm.s32 $0xC000;
	s8 =	smul.u32 $0xA000, s12  }
0x6: {  	s29 =	simm.s32 $0x2;
	s30 =	simm.s32 $0xE000;
	s10 =	smul.u32 $0x1400, s12  }
0x7: {  	s31 =	simm.s32 $0x3;
	s1 =	sand.u32 $0x1, s1;
	s12 =	smul.u32 $0x28000, s12  }
0x8: {  	[smem:$0x7FF] =	sst s4;
	s5 =	sadd.s32 $0x2200, s0;
	s7 =	smul.u32 $0x50000, s1  }
0x9: {  	s13 =	sadd.s32 $0x33C00, s0;
	s19 =	sadd.s32 $0x33E00, s0;
	s9 =	smul.u32 $0xA0000, s1  }
0xa: {  	_ =	strace $0x80000047;
	s11 =	smul.u32 $0x14000, s1;
	[dreg:$0x4] =	wrdreg s13  }
0xb: {  	[dreg:$0x5] =	wrdreg s19;
	s1 =	ssub.s32 $0x2, s1;
	s19 =	simm.s32 $0x12000  }
0xc: {  	s21 =	sshrl.u32 s1, $0x1;
	s22 =	sshrl.u32 s12, $0x2;
	s23 =	sadd.s32 s10, s2  }
0xd: {  	s7 =	sadd.s32 s6, s7;
	s6 =	sshrl.u32 s6, $0x3;
	s9 =	sadd.s32 s8, s9  }
0xe: {  	s11 =	sadd.s32 s10, s11;
	s1 =	ssub.s32 s1, s21;
	[dreg:$0x6] =	wrdreg s23  }
0xf: {  	s24 =	sadd.s32 s22, s3;
	s21 =	simm.s32 $0x10000;
	s23 =	simm.s32 $0x80  }
0x10: {  	s22 =	simm.s32 $0x5;
	s7 =	sshrl.u32 s7, $0x3;
	s6 =	sadd.s32 s6, s0  }
0x11: {  	s9 =	sshrl.u32 s9, $0x3;
	s20 =	sshrl.u32 s11, $0x3;
	s25 =	sadd.s32 $0x2000, s24  }
0x12: {  	s26 =	sadd.s32 $0x4000, s24;
	s12 =	sadd.s32 $0x6000, s24;
	s13 =	sadd.s32 $0x8000, s24  }
0x13: {  	s18 =	smax.u32 s1, $0x1;
	s7 =	sadd.s32 s7, s0;
	s16 =	sadd.s32 s9, s0  }
0x14: {  	s0 =	sadd.s32 s20, s0;
	s9 =	sadd.s32 s8, s3;
	[dreg:$0x7] =	wrdreg s25  }
0x15: {  	[dreg:$0x8] =	wrdreg s26;
	s15 =	sadd.s32 $0x29C00, s6;
	s20 =	simm.s32 $0x6  }
0x16: {  	s25 =	simm.s32 $0xB000;
	s26 =	simm.s32 $0x1;
	s14 =	sadd.s32 $0x15C00, s7  }
0x17: {  	v0 =	vimm.f32 $0.0e+00;
	s16 =	sadd.s32 $0x34200, s16;
	s17 =	sadd.s32 $0x5C200, s0;
	s0 =	simm.s32 $0x4  }
.LBB2_1:
0x18: {  	s6 =	simm.s32 $0x100;
	s1 =	simm.s32 $0x0  }
.LBB2_2:
0x19: {  	p0 =	sne.s32 s6, $0x7F00;
	[tilespmem:s1+$0x10030] =	vst v0;
	s7 =	smov.u32 s6;
	s6 =	sadd.s32 $0x100, s6  }
.Ltmp0:
0x1a: {  	[tilespmem:s1+$0x10020] =	vst v0;
	(pc) =	sbr.rel @p0 .LBB2_2-.Ltmp0, $3  }
0x1b: {  	[tilespmem:s1+$0x10000] =	vst v0  }
0x1c: {  	[tilespmem:s1+$0x10010] =	vst v0;
	_ =	sdelay $0x1  }
0x1d: {  	s1 =	sshra.s32 s7, $0x2  }
0x1e: {  	[tilespmem:s1+$0x10030] =	vst v0  }
0x1f: {  	[tilespmem:s1+$0x10020] =	vst v0  }
0x20: {  	[tilespmem:s1+$0x10000] =	vst v0  }
0x21: {  	[tilespmem:s1+$0x10010] =	vst v0;
	s6 =	simm.s32 $0x0;
	s7 =	rddreg [dreg:$0x4];
	s8 =	stileid.u32  }
0x22: {  	[tilespmem:s19], [sflag:$0x6] =	stream.linear.gather [hbm4b:s7+s6], $0x400, $0x38;
	[tilespmem:$0x1D800] =	vst v63  }
0x23: {  	s1 =	sshll.u32 s8, $0x6;
	_ =	swait.ge [sflag:s20], $0x400  }
0x24: {  	s24 =	sor.u32 $0x1C06, s1;
	[sflag:s20] =	ssyncset.done $0x0;
	s10 =	rddreg [dreg:$0x6]  }
0x25: {  	s7 =	rddreg [dreg:$0x5];
	[sflag:s20] =	ssyncadd.s32 $0xFFFFFC00;
	s1 =	sshrl.u32 s10, $0x3  }
0x26: {  	[spmem:s1], [sflag:s24] =	dma.local [hbm:s7], $0x280  }
0x27: {  	_ =	swait.ge [sflag:s20], $0x280  }
0x28: {  	[sflag:s20] =	ssyncset.done $0x0  }
0x29: {  	[sflag:s20] =	ssyncadd.s32 $0xFFFFFD80  }
0x2a: {  	[spmem:s9] =	stream.linear.scatter [tilespmem:s21], [sflag:$0x6], $0x2000, $0x38;
	[tilespmem:$0x1D800] =	vst v63  }
0x2b: {  	_ =	swait.ge [sflag:s20], $0x2000  }
0x2c: {  	[sflag:s20] =	ssyncset.done $0x0  }
0x2d: {  	s11 =	rddreg [dreg:$0x7];
	[sflag:s20] =	ssyncadd.s32 $0xFFFFE000  }
0x2e: {  	[spmem:s11] =	stream.linear.scatter [tilespmem:s21], [sflag:$0x6], $0x2000, $0x38;
	[tilespmem:$0x1D800] =	vst v63  }
0x2f: {  	_ =	swait.ge [sflag:s20], $0x2000  }
0x30: {  	[sflag:s20] =	ssyncset.done $0x0  }
0x31: {  	s8 =	rddreg [dreg:$0x8];
	[sflag:s20] =	ssyncadd.s32 $0xFFFFE000  }
0x32: {  	[spmem:s8] =	stream.linear.scatter [tilespmem:s21], [sflag:$0x6], $0x2000, $0x38;
	[tilespmem:$0x1D800] =	vst v63  }
0x33: {  	_ =	swait.ge [sflag:s20], $0x2000  }
0x34: {  	[sflag:s20] =	ssyncset.done $0x0  }
0x35: {  	[sflag:s20] =	ssyncadd.s32 $0xFFFFE000  }
0x36: {  	[spmem:s12] =	stream.linear.scatter [tilespmem:s21], [sflag:$0x6], $0x2000, $0x38;
	[tilespmem:$0x1D800] =	vst v63  }
0x37: {  	_ =	swait.ge [sflag:s20], $0x2000  }
0x38: {  	[sflag:s20] =	ssyncset.done $0x0  }
0x39: {  	[sflag:s20] =	ssyncadd.s32 $0xFFFFE000  }
0x3a: {  	[spmem:s13] =	stream.linear.scatter [tilespmem:s21], [sflag:$0x6], $0x2000, $0x38;
	[tilespmem:$0x1D800] =	vst v63  }
0x3b: {  	_ =	swait.ge [sflag:s20], $0x2000  }
0x3c: {  	[sflag:s20] =	ssyncset.done $0x0  }
0x3d: {  	[sflag:s20] =	ssyncadd.s32 $0xFFFFE000  }
0x3e: {  	[tilespmem:s6], [sflag:$0x6] =	stream.linear.gather [hbm4b:s14+s6], $0x5000, $0x38;
	[tilespmem:$0x1D800] =	vst v63  }
0x3f: {  	_ =	swait.ge [sflag:s20], $0x5000  }
0x40: {  	[sflag:s20] =	ssyncset.done $0x0  }
0x41: {  	s10 =	simm.s32 $0x5000;
	[sflag:s20] =	ssyncadd.s32 $0xFFFFB000  }
0x42: {  	[tilespmem:s10], [sflag:$0x6] =	stream.linear.gather [hbm4b:s15+s6], $0x5000, $0x38;
	[tilespmem:$0x1D800] =	vst v63  }
0x43: {  	_ =	swait.ge [sflag:s20], $0x5000  }
0x44: {  	[sflag:s20] =	ssyncset.done $0x0  }
0x45: {  	[sflag:s20] =	ssyncadd.s32 $0xFFFFB000  }
0x46: {  	s11 =	simm.s32 $0xA000;
	[bflag:$0x0] =	sbarrier.arrive $0xFFFF  }
0x47: {  	[tilespmem:s11], [sflag:$0x1] =	stream.indirect.gather [hbm4b:s5+s23], $0x20, s6, s23, $0xb8;
	[tilespmem:$0x1D800] =	vst v63  }
0x48: {  	_ = 	snop  }
0x49: {  	[tilespmem:s25], [sflag:$0x2] =	stream.indirect.gather [hbm4b:s5+s23], $0x20, s23, s23, $0xb8;
	[tilespmem:$0x1D800] =	vst v63  }
.LBB2_4:
0x4a: {  	_ =	swait.ge [sflag:s26], $0x1000  }
0x4b: {  	p0 =	seq.s32 s6, $0x0;
	[sflag:s26] =	ssyncset.done $0x0  }
0x4c: {  	s7 =	simm.s32 @!p0 $0x3;
	[sflag:s26] =	ssyncadd.s32 $0xFFFFF000  }
0x4d: {  	_ =	swait.ge @!p0 [sflag:s7], $0x2000  }
0x4e: {  	[sflag:s7] =	ssyncset.done @!p0 $0x0  }
0x4f: {  	s11 =	simm.s32 $0x0;
	[sflag:s7] =	ssyncadd.s32 @!p0 $0xFFFFE000  }
0x50: {  	v1 =	vld [tilespmem:s11+$0xA000];
	_ =	sdelay $0x4  }
0x51: {  	s8 =	simm.s32 $0xC040;
	v2 =	vunpack.i.l.bf16.f32 v1  }
0x52: {  	v1 =	vunpack.i.u.bf16.f32 v1;
	[tilespmem:s8+$0xFFFFFFC0] =	vst v2  }
0x53: {  	[tilespmem:s8+$0xFFFFFFD0] =	vst v1  }
0x54: {  	v1 =	vld [tilespmem:s11+$0xA010];
	_ =	sdelay $0x4  }
0x55: {  	v2 =	vunpack.i.l.bf16.f32 v1  }
0x56: {  	v1 =	vunpack.i.u.bf16.f32 v1;
	[tilespmem:s8+$0xFFFFFFE0] =	vst v2  }
0x57: {  	[tilespmem:s8+$0xFFFFFFF0] =	vst v1  }
0x58: {  	v1 =	vld [tilespmem:s11+$0xA020];
	_ =	sdelay $0x4  }
0x59: {  	v2 =	vunpack.i.u.bf16.f32 v1  }
0x5a: {  	v1 =	vunpack.i.l.bf16.f32 v1;
	[tilespmem:s8+$0x10] =	vst v2  }
0x5b: {  	[tilespmem:s8+$0x0] =	vst v1  }
0x5c: {  	v1 =	vld [tilespmem:s11+$0xA030];
	_ =	sdelay $0x4  }
0x5d: {  	v2 =	vunpack.i.l.bf16.f32 v1  }
0x5e: {  	v1 =	vunpack.i.u.bf16.f32 v1;
	[tilespmem:s8+$0x20] =	vst v2  }
0x5f: {  	s10 =	simm.s32 $0x40;
	[tilespmem:s8+$0x30] =	vst v1  }
0x60: {  	v1 =	vld [tilespmem:s10+$0xA000]  }
0x61: {  	s7 =	sshll.u32 s6, $0xA;
	s11 =	simm.s32 $0x200  }
.LBB2_5:
0x62: {  	p1 =	sne.s32 s11, $0x3F00;
	_ =	sdelay $0x2  }
0x63: {  	s8 =	sadd.s32 $0x80, s8;
	v2 =	vunpack.i.l.bf16.f32 v1  }
0x64: {  	v1 =	vunpack.i.u.bf16.f32 v1;
	[tilespmem:s8+$0xFFFFFFC0] =	vst v2  }
0x65: {  	[tilespmem:s8+$0xFFFFFFD0] =	vst v1  }
0x66: {  	v1 =	vld [tilespmem:s10+$0xA010];
	_ =	sdelay $0x4  }
0x67: {  	v2 =	vunpack.i.l.bf16.f32 v1  }
0x68: {  	v1 =	vunpack.i.u.bf16.f32 v1;
	[tilespmem:s8+$0xFFFFFFE0] =	vst v2  }
0x69: {  	[tilespmem:s8+$0xFFFFFFF0] =	vst v1  }
0x6a: {  	v1 =	vld [tilespmem:s10+$0xA020];
	_ =	sdelay $0x4  }
0x6b: {  	v2 =	vunpack.i.u.bf16.f32 v1;
	v1 =	vunpack.i.l.bf16.f32 v1  }
0x6c: {  	[tilespmem:s8+$0x10] =	vst v2  }
0x6d: {  	[tilespmem:s8+$0x0] =	vst v1  }
0x6e: {  	v1 =	vld [tilespmem:s10+$0xA030];
	_ =	sdelay $0x4  }
.Ltmp1:
0x6f: {  	v2 =	vunpack.i.u.bf16.f32 v1;
	v1 =	vunpack.i.l.bf16.f32 v1;
	(pc) =	sbr.rel @p1 .LBB2_5-.Ltmp1, $4  }
0x70: {  	[tilespmem:s8+$0x20] =	vst v1  }
0x71: {  	s10 =	sshra.s32 s11, $0x2;
	[tilespmem:s8+$0x30] =	vst v2  }
0x72: {  	v1 =	vld [tilespmem:s10+$0xA000]  }
0x73: {  	s11 =	sadd.s32 $0x100, s11  }
0x74: {  	_ =	sdelay $0x2  }
0x75: {  	s8 =	sadd.s32 $0x80, s8;
	v2 =	vunpack.i.l.bf16.f32 v1  }
0x76: {  	v1 =	vunpack.i.u.bf16.f32 v1;
	[tilespmem:s8+$0xFFFFFFC0] =	vst v2  }
0x77: {  	[tilespmem:s8+$0xFFFFFFD0] =	vst v1  }
0x78: {  	v1 =	vld [tilespmem:s10+$0xA010];
	_ =	sdelay $0x4  }
0x79: {  	v2 =	vunpack.i.l.bf16.f32 v1  }
0x7a: {  	v1 =	vunpack.i.u.bf16.f32 v1;
	[tilespmem:s8+$0xFFFFFFE0] =	vst v2  }
0x7b: {  	[tilespmem:s8+$0xFFFFFFF0] =	vst v1  }
0x7c: {  	v1 =	vld [tilespmem:s10+$0xA020];
	_ =	sdelay $0x4  }
0x7d: {  	v2 =	vunpack.i.u.bf16.f32 v1  }
0x7e: {  	v1 =	vunpack.i.l.bf16.f32 v1;
	[tilespmem:s8+$0x10] =	vst v2  }
0x7f: {  	[tilespmem:s8+$0x0] =	vst v1  }
0x80: {  	v1 =	vld [tilespmem:s10+$0xA030];
	_ =	sdelay $0x4  }
0x81: {  	p1 =	seq.s32 s6, $0x4F;
	v2 =	vunpack.i.l.bf16.f32 v1  }
0x82: {  	s11 =	simm.s32 @!p1 $0xA000;
	s10 =	sshrl.u32 @!p1 s7, $0x2;
	v1 =	vunpack.i.u.bf16.f32 v1;
	[tilespmem:s8+$0x20] =	vst v2  }
0x83: {  	s7 =	sshrl.u32 s7, $0x2;
	[tilespmem:s8+$0x30] =	vst v1;
	s8 =	sadd.s32 @!p1 $0x100, s10;
	s10 =	simm.s32 @!p1 $0x80  }
0x84: {  	[tilespmem:s11], [sflag:$0x1] =	stream.indirect.gather @!p1 [hbm4b:s5+s10], $0x20, s8, s10, $0xb8;
	[tilespmem:$0x1D800] =	vst v63  }
0x85: {  	s10 =	sadd.s32 $0x5000, s7  }
0x86: {  	[spmem:s2] =	stream.indirect.scatter.add.f32 [tilespmem:s19], [sflag:$0x5], $0x8, s10, s23, $0xb8;
	[tilespmem:$0x1D800] =	vst v63  }
0x87: {  	_ = 	snop  }
0x88: {  	[spmem:s3] =	stream.indirect.scatter.add.f32 [tilespmem:s28], [sflag:$0x3], $0x40, s10, s23, $0xb8;
	[tilespmem:$0x1D800] =	vst v63  }
0x89: {  	_ =	swait.ge [sflag:s29], $0x1000  }
0x8a: {  	[sflag:s29] =	ssyncset.done $0x0  }
0x8b: {  	s8 =	simm.s32 @!p0 $0x4;
	[sflag:s29] =	ssyncadd.s32 $0xFFFFF000  }
0x8c: {  	_ =	swait.ge @!p0 [sflag:s8], $0x2000  }
0x8d: {  	[sflag:s8] =	ssyncset.done @!p0 $0x0  }
0x8e: {  	s11 =	simm.s32 $0x0;
	[sflag:s8] =	ssyncadd.s32 @!p0 $0xFFFFE000  }
0x8f: {  	v1 =	vld [tilespmem:s11+$0xB000];
	_ =	sdelay $0x4  }
0x90: {  	s8 =	simm.s32 $0xE040;
	v2 =	vunpack.i.l.bf16.f32 v1  }
0x91: {  	v1 =	vunpack.i.u.bf16.f32 v1;
	[tilespmem:s8+$0xFFFFFFC0] =	vst v2  }
0x92: {  	[tilespmem:s8+$0xFFFFFFD0] =	vst v1  }
0x93: {  	v1 =	vld [tilespmem:s11+$0xB010];
	_ =	sdelay $0x4  }
0x94: {  	v2 =	vunpack.i.l.bf16.f32 v1  }
0x95: {  	v1 =	vunpack.i.u.bf16.f32 v1;
	[tilespmem:s8+$0xFFFFFFE0] =	vst v2  }
0x96: {  	[tilespmem:s8+$0xFFFFFFF0] =	vst v1  }
0x97: {  	v1 =	vld [tilespmem:s11+$0xB020];
	_ =	sdelay $0x4  }
0x98: {  	v2 =	vunpack.i.u.bf16.f32 v1  }
0x99: {  	v1 =	vunpack.i.l.bf16.f32 v1;
	[tilespmem:s8+$0x10] =	vst v2  }
0x9a: {  	[tilespmem:s8+$0x0] =	vst v1  }
0x9b: {  	v1 =	vld [tilespmem:s11+$0xB030];
	_ =	sdelay $0x4  }
0x9c: {  	v2 =	vunpack.i.l.bf16.f32 v1  }
0x9d: {  	v1 =	vunpack.i.u.bf16.f32 v1;
	[tilespmem:s8+$0x20] =	vst v2  }
0x9e: {  	s10 =	simm.s32 $0x40;
	[tilespmem:s8+$0x30] =	vst v1  }
0x9f: {  	v1 =	vld [tilespmem:s10+$0xB000]  }
0xa0: {  	s11 =	simm.s32 $0x200  }
.LBB2_7:
0xa1: {  	p0 =	sne.s32 s11, $0x3F00;
	_ =	sdelay $0x2  }
0xa2: {  	s8 =	sadd.s32 $0x80, s8;
	v2 =	vunpack.i.l.bf16.f32 v1  }
0xa3: {  	v1 =	vunpack.i.u.bf16.f32 v1;
	[tilespmem:s8+$0xFFFFFFC0] =	vst v2  }
0xa4: {  	[tilespmem:s8+$0xFFFFFFD0] =	vst v1  }
0xa5: {  	v1 =	vld [tilespmem:s10+$0xB010];
	_ =	sdelay $0x4  }
0xa6: {  	v2 =	vunpack.i.l.bf16.f32 v1  }
0xa7: {  	v1 =	vunpack.i.u.bf16.f32 v1;
	[tilespmem:s8+$0xFFFFFFE0] =	vst v2  }
0xa8: {  	[tilespmem:s8+$0xFFFFFFF0] =	vst v1  }
0xa9: {  	v1 =	vld [tilespmem:s10+$0xB020];
	_ =	sdelay $0x4  }
0xaa: {  	v2 =	vunpack.i.u.bf16.f32 v1;
	v1 =	vunpack.i.l.bf16.f32 v1  }
0xab: {  	[tilespmem:s8+$0x10] =	vst v2  }
0xac: {  	[tilespmem:s8+$0x0] =	vst v1  }
0xad: {  	v1 =	vld [tilespmem:s10+$0xB030];
	_ =	sdelay $0x4  }
.Ltmp2:
0xae: {  	v2 =	vunpack.i.u.bf16.f32 v1;
	v1 =	vunpack.i.l.bf16.f32 v1;
	(pc) =	sbr.rel @p0 .LBB2_7-.Ltmp2, $4  }
0xaf: {  	[tilespmem:s8+$0x20] =	vst v1  }
0xb0: {  	s10 =	sshra.s32 s11, $0x2;
	[tilespmem:s8+$0x30] =	vst v2  }
0xb1: {  	v1 =	vld [tilespmem:s10+$0xB000]  }
0xb2: {  	s11 =	sadd.s32 $0x100, s11  }
0xb3: {  	_ =	sdelay $0x2  }
0xb4: {  	s8 =	sadd.s32 $0x80, s8;
	v2 =	vunpack.i.l.bf16.f32 v1  }
0xb5: {  	v1 =	vunpack.i.u.bf16.f32 v1;
	[tilespmem:s8+$0xFFFFFFC0] =	vst v2  }
0xb6: {  	[tilespmem:s8+$0xFFFFFFD0] =	vst v1  }
0xb7: {  	v1 =	vld [tilespmem:s10+$0xB010];
	_ =	sdelay $0x4  }
0xb8: {  	v2 =	vunpack.i.l.bf16.f32 v1  }
0xb9: {  	v1 =	vunpack.i.u.bf16.f32 v1;
	[tilespmem:s8+$0xFFFFFFE0] =	vst v2  }
0xba: {  	[tilespmem:s8+$0xFFFFFFF0] =	vst v1  }
0xbb: {  	v1 =	vld [tilespmem:s10+$0xB020];
	_ =	sdelay $0x4  }
0xbc: {  	v2 =	vunpack.i.u.bf16.f32 v1  }
0xbd: {  	v1 =	vunpack.i.l.bf16.f32 v1;
	[tilespmem:s8+$0x10] =	vst v2  }
0xbe: {  	[tilespmem:s8+$0x0] =	vst v1  }
0xbf: {  	v1 =	vld [tilespmem:s10+$0xB030];
	_ =	sdelay $0x2  }
.Ltmp3:
0xc0: {  	_ = 	snop;
	(pc) =	sbr.rel @p1 .LBB2_10-.Ltmp3, $4  }
0xc1: {  	_ = 	snop  }
0xc2: {  	v2 =	vunpack.i.l.bf16.f32 v1  }
0xc3: {  	v1 =	vunpack.i.u.bf16.f32 v1;
	[tilespmem:s8+$0x20] =	vst v2  }
0xc4: {  	[tilespmem:s8+$0x30] =	vst v1;
	s8 =	sadd.s32 $0x5080, s7  }
0xc5: {  	s7 =	sadd.s32 $0x180, s7  }
0xc6: {  	[tilespmem:s25], [sflag:$0x2] =	stream.indirect.gather [hbm4b:s5+s23], $0x20, s7, s23, $0xb8;
	[tilespmem:$0x1D800] =	vst v63  }
.Ltmp4:
0xc7: {  	_ = 	snop;
	(pc) =	sbr.rel .LBB2_4-.Ltmp4, $4  }
0xc8: {  	_ = 	snop  }
0xc9: {  	[spmem:s2] =	stream.indirect.scatter.add.f32 [tilespmem:s19], [sflag:$0x5], $0x8, s8, s23, $0xb8;
	[tilespmem:$0x1D800] =	vst v63  }
0xca: {  	s6 =	sadd.s32 $0x1, s6  }
0xcb: {  	[spmem:s3] =	stream.indirect.scatter.add.f32 [tilespmem:s30], [sflag:$0x4], $0x40, s8, s23, $0xb8;
	[tilespmem:$0x1D800] =	vst v63  }
.LBB2_10:
0xcc: {  	[spmem:s2] =	stream.indirect.scatter.add.f32 [tilespmem:s19], [sflag:$0x5], $0x8, s8, s23, $0xb8;
	[tilespmem:$0x1D800] =	vst v63  }
0xcd: {  	_ = 	snop  }
0xce: {  	[spmem:s3] =	stream.indirect.scatter.add.f32 [tilespmem:s30], [sflag:$0x4], $0x40, s8, s23, $0xb8;
	[tilespmem:$0x1D800] =	vst v63  }
0xcf: {  	_ =	swait.ge [sflag:s31], $0x2000  }
0xd0: {  	[sflag:s31] =	ssyncset.done $0x0  }
0xd1: {  	[sflag:s31] =	ssyncadd.s32 $0xFFFFE000  }
0xd2: {  	_ =	swait.ge [sflag:s0], $0x2000  }
0xd3: {  	[sflag:s0] =	ssyncset.done $0x0  }
0xd4: {  	[sflag:s0] =	ssyncadd.s32 $0xFFFFE000  }
0xd5: {  	_ =	swait.ge [sflag:s22], $0x400  }
0xd6: {  	s6 =	simm.s32 $0x9F;
	[sflag:s22] =	ssyncset.done $0x0  }
.LBB2_11:
0xd7: {  	p0 =	sne.s32 s6, $0x1;
	s6 =	sadd.s32 $0xFFFFFFFF, s6;
	[sflag:s22] =	ssyncadd.s32 $0xFFFFFC00  }
.Ltmp5:
0xd8: {  	(pc) =	sbr.rel @p0 .LBB2_11-.Ltmp5, $3  }
0xd9: {  	_ =	sdelay $0x1  }
0xda: {  	_ =	swait.ge [sflag:s22], $0x400  }
0xdb: {  	[sflag:s22] =	ssyncset.done $0x0  }
0xdc: {  	[sflag:s22] =	ssyncadd.s32 $0xFFFFFC00  }
0xdd: {  	s6 =	sshrl.u32 s9, $0x3;
	[bflag:$0x0] =	sbarrier.arrive $0xFFFF  }
0xde: {  	[hbm:s16], [sflag:s24] =	dma.local [spmem:s6], $0x1400  }
0xdf: {  	s4 =	sadd.s32 $0x1, s4;
	_ =	swait.ge [sflag:s20], $0x1400  }
0xe0: {  	p0 =	sne.s32 s4, s18;
	[sflag:s20] =	ssyncset.done $0x0  }
.Ltmp6:
0xe1: {  	[sflag:s20] =	ssyncadd.s32 $0xFFFFEC00;
	(pc) =	sbr.rel @p0 .LBB2_1-.Ltmp6, $4  }
0xe2: {  	[hbm:s17], [sflag:s24] =	dma.local [spmem:s1], $0x280  }
0xe3: {  	_ =	swait.ge [sflag:s20], $0x280  }
0xe4: {  	[sflag:s20] =	ssyncset.done $0x0  }
0xe5: {  	[sflag:s20] =	ssyncadd.s32 $0xFFFFFD80  }
0xe6: {  	_ =	sfence.sel $0x180000  }
0xe7: {  	[bflag:$0x0] =	sbarrier.arrive $0xFFFF  }
0xe8: {  	_ =	strace $0x90000047  }
0xe9: {  	s0 =	stileid.u32;
	[bflag:$0x2] =	sbarrier.arrive $0xFFFF  }
0xea: {  	p0 =	sne.s32 s0, $0x0;
	s0 =	rddreg [dreg:$0x3]  }
0xeb: {  	s0 =	sadd.s32 @!p0 $0x100000, s0  }
0xec: {  	[sflag:s0] =	ssyncadd.tile.s32 @!p0 $0x1;
	_ =	shalt  }
.Lfunc_end2:
_tile_overlayer_lowered:
.L_overlay_start_2:
0xed: {  	(tag) =	ssettag $0x2  }
0xee: {  	s0 =	rddreg [dreg:$0x0];
	s2 =	stileid.u32  }
0xef: {  	s1 =	rddreg [dreg:$0x1];
	p0 =	sne.s32 s2, $0x0  }
0xf0: {  	s3 =	rddreg [dreg:$0x2];
	[bflag:$0x3] =	sbarrier.arrive $0xFFFF;
	s2 =	simm.s32 @!p0 $0x1C06  }
0xf1: {  	[timem:s3], [sflag:s2] =	dma.local @!p0 [hbm:s0], s1  }
0xf2: {  	s0 =	simm.s32 @!p0 $0x6  }
0xf3: {  	_ =	swait.ge @!p0 [sflag:s0], s1  }
0xf4: {  	s1 =	ssub.s32 @!p0 $0x0, s1;
	[sflag:s0] =	ssyncset.done @!p0 $0x0  }
0xf5: {  	[sflag:s0] =	ssyncadd.s32 @!p0 s1  }
0xf6: {  	[bflag:$0x3] =	sbarrier.arrive $0xFFFF  }
0xf7: {  	_ =	shalt  }

// kernel: kernel.9.cloned.1.call-start
scs
__scs_entry_jumppad:
0x0: {  	(pc) =	sbr.rel $0x88, $3  }
0x1: {  	(tag) =	ssettag $0x0;
	lr =	simm.s32 $0x1  }
0x2: {  	[smem:$0x3F97] =	sst lr;
	_ =	strace $0xD0000000  }
0x3: {  	_ = 	snop  }
0x4: {  	_ = 	snop  }
0x5: {  	_ = 	snop  }
0x6: {  	_ = 	snop  }
0x7: {  	_ = 	snop  }
__scs_overlays_trampoline_lowered:
0x8: {  	[smem:$0x3FA6] =	sst s0  }
0x9: {  	[smem:$0x3FA7] =	sst s1  }
0xa: {  	[smem:$0x3FA8] =	sst s2  }
0xb: {  	[smem:$0x3FA9] =	sst s3  }
0xc: {  	[smem:$0x3FAA] =	sst s4  }
0xd: {  	[smem:$0x3FAB] =	sst s5  }
0xe: {  	[smem:$0x3FAC] =	sst s6  }
0xf: {  	[smem:$0x3FAD] =	sst s7  }
0x10: {  	[smem:$0x3FAE] =	sst s8  }
0x11: {  	[smem:$0x3FAF] =	sst s9;
	s0 =	simm.s32 @!p0 $0x0  }
0x12: {  	s1 =	sld [smem:$0x3F95];
	s0 =	simm.s32 @p0 $0x1  }
0x13: {  	[smem:$0x3FB0] =	sst s0;
	s0 =	simm.s32 @!p1 $0x0  }
0x14: {  	s2 =	sld [smem:$0x3F94];
	s0 =	simm.s32 @p1 $0x1  }
0x15: {  	[smem:$0x3FB1] =	sst s0;
	s0 =	simm.s32 @!p2 $0x0  }
0x16: {  	s3 =	sld [smem:$0x3FDB];
	s0 =	simm.s32 @p2 $0x1  }
0x17: {  	s4 =	simm.s32 $0x1BF5;
	[smem:$0x3FB3] =	sst s0  }
0x18: {  	s0 =	sld [smem:$0x3F96];
	_ =	swait.ge [sflag:s4], $0x0  }
0x19: {  	s7 =	sld [smem:$0x3F97]  }
0x1a: {  	s8 =	sadd.s32 $0xFFFFE003, lr  }
0x1b: {  	s9 =	sadd.s32 $0xFFFFFEF7, lr;
	s5 =	simm.s32 $0xFFFFFFFF;
	p2 =	slt.u32 s8, $0xFFFFF086  }
0x1c: {  	p1 =	slt.u32 s9, $0xF7A;
	s5 =	simm.s32 @!p2 $0x0  }
0x1d: {  	s5 =	simm.s32 @p1 $0x1;
	p0 =	seq.s32 s7, s2  }
0x1e: {  	s7 =	smul.u32 @!p0 $0xF7A, s2;
	p2 =	seq.s32 @!p0 s5, $0x0  }
0x1f: {  	s9 =	smul.u32 $0xF7A, s1;
	s8 =	simm.s32 @!p0 $0x1BF5;
	p2 =	por !p2, p0  }
0x20: {  	[sflag:s8] =	ssyncset.s32 @!p0 $0xFFFFF086;
	s6 =	sadd.s32 @!p0 s3, s7;
	s7 =	simm.s32 @!p0 $0x108  }
0x21: {  	s3 =	sadd.s32 s3, s9;
	s6 =	sadd.s32 @!p0 $0x88, s6;
	s7 =	simm.s32 @p2 $0x1082  }
0x22: {  	[simem:s7], [sflag:s8] =	dma.local @!p0 [hbm:s6], $0xF7A  }
0x23: {  	s9 =	sor.u32 $0xD0000000, s2;
	s6 =	simm.s32 $0x108;
	_ =	swait.ge @!p0 [sflag:s8], $0x0  }
0x24: {  	s3 =	sadd.s32 $0x88, s3;
	s6 =	simm.s32 @!p1 $0x1082;
	[sflag:s4] =	ssyncset.s32 $0xFFFFF086  }
0x25: {  	[simem:s6], [sflag:s4] =	dma.local [hbm:s3], $0xF7A  }
0x26: {  	[smem:$0x3F97] =	sst s1;
	(tag) =	ssettag s2;
	_ =	strace s9  }
0x27: {  	s1 =	sld [smem:$0x3FA7]  }
0x28: {  	s2 =	sld [smem:$0x3FA8]  }
0x29: {  	s4 =	sld [smem:$0x3FAA]  }
0x2a: {  	p0 =	seq.s32 s5, $0x0;
	s5 =	sld [smem:$0x3FAB]  }
0x2b: {  	s6 =	sld [smem:$0x3FAC]  }
0x2c: {  	s7 =	sld [smem:$0x3FAD]  }
0x2d: {  	s3 =	simm.s32 $0x108;
	s8 =	sld [smem:$0x3FAE]  }
0x2e: {  	s3 =	simm.s32 @!p0 $0x1082;
	s9 =	sld [smem:$0x3FAF]  }
0x2f: {  	lr =	sadd.s32 s0, s3;
	s0 =	sld [smem:$0x3FA6]  }
0x30: {  	s3 =	sld [smem:$0x3FA9]  }
0x31: {  	[smem:$0x3FB2] =	sst s10  }
0x32: {  	s10 =	sld [smem:$0x3FB0];
	_ =	sdelay $0x3  }
0x33: {  	p0 =	seq.s32 s10, $0x1;
	s10 =	sld [smem:$0x3FB2];
	_ =	sdelay $0x3  }
0x34: {  	[smem:$0x3FB2] =	sst s10  }
0x35: {  	s10 =	sld [smem:$0x3FB1];
	_ =	sdelay $0x3  }
0x36: {  	p1 =	seq.s32 s10, $0x1;
	s10 =	sld [smem:$0x3FB2];
	_ =	sdelay $0x3  }
0x37: {  	[smem:$0x3FB2] =	sst s10  }
0x38: {  	s10 =	sld [smem:$0x3FB3]  }
0x39: {  	_ = 	snop;
	(pc) =	sbr.ind lr, $3  }
0x3a: {  	_ = 	snop  }
0x3b: {  	_ = 	snop  }
0x3c: {  	p2 =	seq.s32 s10, $0x1;
	s10 =	sld [smem:$0x3FB2]  }
0x3d: {  	_ =	shalt  }
0x3e: {  	_ =	shalt  }
0x3f: {  	_ =	shalt  }
0x40: {  	_ =	shalt  }
0x41: {  	_ =	shalt  }
0x42: {  	_ =	shalt  }
0x43: {  	_ =	shalt  }
0x44: {  	_ =	shalt  }
0x45: {  	_ =	shalt  }
0x46: {  	_ =	shalt  }
0x47: {  	_ =	shalt  }
0x48: {  	_ =	shalt  }
0x49: {  	_ =	shalt  }
0x4a: {  	_ =	shalt  }
0x4b: {  	_ =	shalt  }
0x4c: {  	_ =	shalt  }
0x4d: {  	_ =	shalt  }
0x4e: {  	_ =	shalt  }
0x4f: {  	_ =	shalt  }
0x50: {  	_ =	shalt  }
0x51: {  	_ =	shalt  }
0x52: {  	_ =	shalt  }
0x53: {  	_ =	shalt  }
0x54: {  	_ =	shalt  }
0x55: {  	_ =	shalt  }
0x56: {  	_ =	shalt  }
0x57: {  	_ =	shalt  }
0x58: {  	_ =	shalt  }
0x59: {  	_ =	shalt  }
0x5a: {  	_ =	shalt  }
0x5b: {  	_ =	shalt  }
0x5c: {  	_ =	shalt  }
0x5d: {  	_ =	shalt  }
0x5e: {  	_ =	shalt  }
0x5f: {  	_ =	shalt  }
0x60: {  	_ =	shalt  }
0x61: {  	_ =	shalt  }
0x62: {  	_ =	shalt  }
0x63: {  	_ =	shalt  }
0x64: {  	_ =	shalt  }
0x65: {  	_ =	shalt  }
0x66: {  	_ =	shalt  }
0x67: {  	_ =	shalt  }
0x68: {  	_ =	shalt  }
0x69: {  	_ =	shalt  }
0x6a: {  	_ =	shalt  }
0x6b: {  	_ =	shalt  }
0x6c: {  	_ =	shalt  }
0x6d: {  	_ =	shalt  }
0x6e: {  	_ =	shalt  }
0x6f: {  	_ =	shalt  }
0x70: {  	_ =	shalt  }
0x71: {  	_ =	shalt  }
0x72: {  	_ =	shalt  }
0x73: {  	_ =	shalt  }
0x74: {  	_ =	shalt  }
0x75: {  	_ =	shalt  }
0x76: {  	_ =	shalt  }
0x77: {  	_ =	shalt  }
0x78: {  	_ =	shalt  }
0x79: {  	_ =	shalt  }
0x7a: {  	_ =	shalt  }
0x7b: {  	_ =	shalt  }
0x7c: {  	_ =	shalt  }
0x7d: {  	_ =	shalt  }
0x7e: {  	_ =	shalt  }
0x7f: {  	_ =	shalt  }
0x80: {  	_ =	shalt  }
0x81: {  	_ =	shalt  }
0x82: {  	_ =	shalt  }
0x83: {  	_ =	shalt  }
0x84: {  	_ =	shalt  }
0x85: {  	_ =	shalt  }
0x86: {  	_ =	shalt  }
0x87: {  	_ =	shalt  }
.Lfunc_end0:
.L_simem_size_0:
called_computation.1_lowered:
.L_overlay_start_0:
0x88: {  	s2 =	sld [smem:$0x3FD9]  }
0x89: {  	s3 =	sld [smem:$0x3FFE];
	_ =	sdelay $0x1  }
0x8a: {  	s1 =	srdreg.scid  }
0x8b: {  	s0 =	sand.u32 $0x1, s1  }
0x8c: {  	s16 =	sshll.u32 s0, $0xA;
	s2 =	sadd.s32 s3, s2  }
0x8d: {  	s2 =	sadd.s32 s2, s16  }
0x8e: {  	[smem:$0x3FBE] =	sst s2  }
0x8f: {  	_ = 	snop  }
0x90: {  	(tm) =	ssettm $0x1  }
0x91: {  	s17 =	sld [smem:$0x3FFB];
	_ =	sdelay $0x3  }
0x92: {  	_ =	strace s17  }
0x93: {  	s2 =	sld [smem:$0x3FFC];
	_ =	sdelay $0x3  }
0x94: {  	_ =	strace s2  }
0x95: {  	s2 =	sld [smem:$0x3FFD];
	_ =	sdelay $0x3  }
0x96: {  	_ =	strace s2  }
0x97: {  	_ =	strace $0x8FFFFFFF  }
0x98: {  	s18 =	sld [smem:$0x3FDB];
	_ =	sdelay $0x1  }
0x99: {  	s19 =	simm.s32 $_scs_section_size  }
0x9a: {  	s4 =	simm.s32 $_size__tile_overlayer_lowered;
	s5 =	simm.s32 $_tile_overlayer_lowered  }
0x9b: {  	s22 =	simm.s32 $0x1BFF;
	s21 =	sshll.u32 s5, $0x1;
	s2 =	sadd.s32 s19, s18  }
0x9c: {  	s6 =	simm.s32 $0x0;
	s20 =	sshll.u32 s4, $0x1;
	s4 =	sadd.s32 s21, s2  }
0x9d: {  	[timem:s6], [sflag:s22] =	dma.local [hbm:s4], s20  }
0x9e: {  	_ =	swait.ge [sflag:s22], s20  }
0x9f: {  	s3 =	ssub.s32 $0x0, s20;
	[sflag:s22] =	ssyncset.done $0x0  }
0xa0: {  	[sflag:s22] =	ssyncadd.s32 s3;
	_ =	sdelay $0x1  }
0xa1: {  	s23 =	simm.s32 $0x1B8B  }
0xa2: {  	_ =	swait.ge [sflag:s23], $0x1  }
0xa3: {  	[sflag:s23] =	ssyncset.done $0x0  }
0xa4: {  	s25 =	simm.s32 $0x1B8E;
	s24 =	sld [smem:$0x3FFE];
	[sflag:s23] =	ssyncadd.s32 $0xFFFFFFFF  }
0xa5: {  	s26 =	simm.s32 $execute0_lowered;
	[smem:$0x3FD2] =	sst s25  }
0xa6: {  	s4 =	sshll.u32 s26, $0x1;
	_ =	strace $0x80000049;
	[dreg:$0x1] =	wrdreg $0xFFFFFFFF  }
0xa7: {  	s28 =	simm.s32 $_size_execute0_lowered;
	s2 =	sadd.s32 s2, s4;
	[dreg:$0x0] =	wrdreg $0x0  }
0xa8: {  	s4 =	sshll.u32 s28, $0x1;
	[dreg:$0x2] =	wrdreg s2  }
0xa9: {  	[dreg:$0x3] =	wrdreg s4  }
0xaa: {  	[dreg:$0x4] =	wrdreg $0xC0  }
0xab: {  	_ =	task [dreg:s6], $0x5FFFF  }
0xac: {  	[dreg:$0x1] =	wrdreg $0xFFFFFFFF  }
0xad: {  	[dreg:$0x0] =	wrdreg $0x60  }
0xae: {  	[dreg:$0x2] =	wrdreg s24  }
0xaf: {  	[dreg:$0x3] =	wrdreg $0x1C4000  }
0xb0: {  	[dreg:$0x4] =	wrdreg $0x124000  }
0xb1: {  	[dreg:$0x5] =	wrdreg $0x9  }
0xb2: {  	_ =	task.clear_ibuf [dreg:s6], $0x6FFFF;
	_ =	strace $0x90000049  }
0xb3: {  	s29 =	simm.s32 $0x9;
	_ =	strace $0x8000004B  }
0xb4: {  	_ =	swait.ge [sflag:s29], $0x1  }
0xb5: {  	[sflag:s29] =	ssyncadd.s32 $0xFFFFFFFF  }
0xb6: {  	_ =	strace $0x9000004B  }
0xb7: {  	_ =	sfence  }
0xb8: {  	s30 =	sld [smem:$0x0];
	_ =	sdelay $0x2  }
0xb9: {  	s31 =	sshll.u32 s1, $0xD;
	s1 =	sshrl.u32 s1, $0x2  }
0xba: {  	s3 =	sand.u32 $0x4000, s31;
	s1 =	sadd.s32 s1, s30  }
0xbb: {  	s0 =	sor.u32 s3, s0;
	s1 =	sshll.u32 s1, $0x11  }
0xbc: {  	s0 =	sor.u32 s1, s0  }
0xbd: {  	s0 =	sadd.s32 $0x8F2B, s0  }
0xbe: {  	[sflag:s0] =	ssyncadd.remote.s32 $0x1  }
0xbf: {  	_ =	sfence.sel $0xFFFF  }
0xc0: {  	[dreg:$0x0] =	wrdreg $0xFFFFFFFF;
	(pc) =	sbr.abs _section_cstart, $3  }
0xc1: {  	[dreg:$0x1] =	wrdreg $0xFFFFFFFF  }
0xc2: {  	_ =	task.clear_ibuf [dreg:s6], $0x2FFFF;
	_ =	strace $0x9FFFFFFF  }
0xc3: {  	(tm) =	ssettm $0x7FFFFFFF  }
tec
execute0_lowered:
.L_overlay_start_1:
0x0: {  	(tag) =	ssettag $0x1  }
0x1: {  	s0 =	rddreg [dreg:$0x0]  }
0x2: {  	s2 =	rddreg [dreg:$0x1]  }
0x3: {  	s3 =	rddreg [dreg:$0x2];
	s12 =	stileid.u32  }
0x4: {  	s1 =	srdreg.scid;
	s6 =	smul.u32 $0x5000, s12  }
0x5: {  	s4 =	simm.s32 $0x0;
	s28 =	simm.s32 $0xC000;
	s8 =	smul.u32 $0xA000, s12  }
0x6: {  	s29 =	simm.s32 $0x2;
	s30 =	simm.s32 $0xE000;
	s10 =	smul.u32 $0x1400, s12  }
0x7: {  	s31 =	simm.s32 $0x3;
	s1 =	sand.u32 $0x1, s1;
	s12 =	smul.u32 $0x28000, s12  }
0x8: {  	[smem:$0x7FF] =	sst s4;
	s5 =	sadd.s32 $0x2200, s0;
	s7 =	smul.u32 $0x50000, s1  }
0x9: {  	s13 =	sadd.s32 $0x33C00, s0;
	s19 =	sadd.s32 $0x33E00, s0;
	s9 =	smul.u32 $0xA0000, s1  }
0xa: {  	_ =	strace $0x8000004A;
	s11 =	smul.u32 $0x14000, s1;
	[dreg:$0x4] =	wrdreg s13  }
0xb: {  	[dreg:$0x5] =	wrdreg s19;
	s1 =	ssub.s32 $0x2, s1;
	s19 =	simm.s32 $0x12000  }
0xc: {  	s21 =	sshrl.u32 s1, $0x1;
	s22 =	sshrl.u32 s12, $0x2;
	s23 =	sadd.s32 s10, s2  }
0xd: {  	s7 =	sadd.s32 s6, s7;
	s6 =	sshrl.u32 s6, $0x3;
	s9 =	sadd.s32 s8, s9  }
0xe: {  	s11 =	sadd.s32 s10, s11;
	s1 =	ssub.s32 s1, s21;
	[dreg:$0x6] =	wrdreg s23  }
0xf: {  	s24 =	sadd.s32 s22, s3;
	s21 =	simm.s32 $0x10000;
	s23 =	simm.s32 $0x80  }
0x10: {  	s22 =	simm.s32 $0x5;
	s7 =	sshrl.u32 s7, $0x3;
	s6 =	sadd.s32 s6, s0  }
0x11: {  	s9 =	sshrl.u32 s9, $0x3;
	s20 =	sshrl.u32 s11, $0x3;
	s25 =	sadd.s32 $0x2000, s24  }
0x12: {  	s26 =	sadd.s32 $0x4000, s24;
	s12 =	sadd.s32 $0x6000, s24;
	s13 =	sadd.s32 $0x8000, s24  }
0x13: {  	s18 =	smax.u32 s1, $0x1;
	s7 =	sadd.s32 s7, s0;
	s16 =	sadd.s32 s9, s0  }
0x14: {  	s0 =	sadd.s32 s20, s0;
	s9 =	sadd.s32 s8, s3;
	[dreg:$0x7] =	wrdreg s25  }
0x15: {  	[dreg:$0x8] =	wrdreg s26;
	s15 =	sadd.s32 $0x29C00, s6;
	s20 =	simm.s32 $0x6  }
0x16: {  	s25 =	simm.s32 $0xB000;
	s26 =	simm.s32 $0x1;
	s14 =	sadd.s32 $0x15C00, s7  }
0x17: {  	v0 =	vimm.f32 $0.0e+00;
	s16 =	sadd.s32 $0x39200, s16;
	s17 =	sadd.s32 $0x34200, s0;
	s0 =	simm.s32 $0x4  }
.LBB2_1:
0x18: {  	s6 =	simm.s32 $0x100;
	s1 =	simm.s32 $0x0  }
.LBB2_2:
0x19: {  	p0 =	sne.s32 s6, $0x7F00;
	[tilespmem:s1+$0x10030] =	vst v0;
	s7 =	smov.u32 s6;
	s6 =	sadd.s32 $0x100, s6  }
.Ltmp0:
0x1a: {  	[tilespmem:s1+$0x10020] =	vst v0;
	(pc) =	sbr.rel @p0 .LBB2_2-.Ltmp0, $3  }
0x1b: {  	[tilespmem:s1+$0x10000] =	vst v0  }
0x1c: {  	[tilespmem:s1+$0x10010] =	vst v0;
	_ =	sdelay $0x1  }
0x1d: {  	s1 =	sshra.s32 s7, $0x2  }
0x1e: {  	[tilespmem:s1+$0x10030] =	vst v0  }
0x1f: {  	[tilespmem:s1+$0x10020] =	vst v0  }
0x20: {  	[tilespmem:s1+$0x10000] =	vst v0  }
0x21: {  	[tilespmem:s1+$0x10010] =	vst v0;
	s6 =	simm.s32 $0x0;
	s7 =	rddreg [dreg:$0x4];
	s8 =	stileid.u32  }
0x22: {  	[tilespmem:s19], [sflag:$0x6] =	stream.linear.gather [hbm4b:s7+s6], $0x400, $0x38;
	[tilespmem:$0x1D800] =	vst v63  }
0x23: {  	s1 =	sshll.u32 s8, $0x6;
	_ =	swait.ge [sflag:s20], $0x400  }
0x24: {  	s24 =	sor.u32 $0x1C06, s1;
	[sflag:s20] =	ssyncset.done $0x0;
	s10 =	rddreg [dreg:$0x6]  }
0x25: {  	s7 =	rddreg [dreg:$0x5];
	[sflag:s20] =	ssyncadd.s32 $0xFFFFFC00;
	s1 =	sshrl.u32 s10, $0x3  }
0x26: {  	[spmem:s1], [sflag:s24] =	dma.local [hbm:s7], $0x280  }
0x27: {  	_ =	swait.ge [sflag:s20], $0x280  }
0x28: {  	[sflag:s20] =	ssyncset.done $0x0  }
0x29: {  	[sflag:s20] =	ssyncadd.s32 $0xFFFFFD80  }
0x2a: {  	[spmem:s9] =	stream.linear.scatter [tilespmem:s21], [sflag:$0x6], $0x2000, $0x38;
	[tilespmem:$0x1D800] =	vst v63  }
0x2b: {  	_ =	swait.ge [sflag:s20], $0x2000  }
0x2c: {  	[sflag:s20] =	ssyncset.done $0x0  }
0x2d: {  	s11 =	rddreg [dreg:$0x7];
	[sflag:s20] =	ssyncadd.s32 $0xFFFFE000  }
0x2e: {  	[spmem:s11] =	stream.linear.scatter [tilespmem:s21], [sflag:$0x6], $0x2000, $0x38;
	[tilespmem:$0x1D800] =	vst v63  }
0x2f: {  	_ =	swait.ge [sflag:s20], $0x2000  }
0x30: {  	[sflag:s20] =	ssyncset.done $0x0  }
0x31: {  	s8 =	rddreg [dreg:$0x8];
	[sflag:s20] =	ssyncadd.s32 $0xFFFFE000  }
0x32: {  	[spmem:s8] =	stream.linear.scatter [tilespmem:s21], [sflag:$0x6], $0x2000, $0x38;
	[tilespmem:$0x1D800] =	vst v63  }
0x33: {  	_ =	swait.ge [sflag:s20], $0x2000  }
0x34: {  	[sflag:s20] =	ssyncset.done $0x0  }
0x35: {  	[sflag:s20] =	ssyncadd.s32 $0xFFFFE000  }
0x36: {  	[spmem:s12] =	stream.linear.scatter [tilespmem:s21], [sflag:$0x6], $0x2000, $0x38;
	[tilespmem:$0x1D800] =	vst v63  }
0x37: {  	_ =	swait.ge [sflag:s20], $0x2000  }
0x38: {  	[sflag:s20] =	ssyncset.done $0x0  }
0x39: {  	[sflag:s20] =	ssyncadd.s32 $0xFFFFE000  }
0x3a: {  	[spmem:s13] =	stream.linear.scatter [tilespmem:s21], [sflag:$0x6], $0x2000, $0x38;
	[tilespmem:$0x1D800] =	vst v63  }
0x3b: {  	_ =	swait.ge [sflag:s20], $0x2000  }
0x3c: {  	[sflag:s20] =	ssyncset.done $0x0  }
0x3d: {  	[sflag:s20] =	ssyncadd.s32 $0xFFFFE000  }
0x3e: {  	[tilespmem:s6], [sflag:$0x6] =	stream.linear.gather [hbm4b:s14+s6], $0x5000, $0x38;
	[tilespmem:$0x1D800] =	vst v63  }
0x3f: {  	_ =	swait.ge [sflag:s20], $0x5000  }
0x40: {  	[sflag:s20] =	ssyncset.done $0x0  }
0x41: {  	s10 =	simm.s32 $0x5000;
	[sflag:s20] =	ssyncadd.s32 $0xFFFFB000  }
0x42: {  	[tilespmem:s10], [sflag:$0x6] =	stream.linear.gather [hbm4b:s15+s6], $0x5000, $0x38;
	[tilespmem:$0x1D800] =	vst v63  }
0x43: {  	_ =	swait.ge [sflag:s20], $0x5000  }
0x44: {  	[sflag:s20] =	ssyncset.done $0x0  }
0x45: {  	[sflag:s20] =	ssyncadd.s32 $0xFFFFB000  }
0x46: {  	s11 =	simm.s32 $0xA000;
	[bflag:$0x0] =	sbarrier.arrive $0xFFFF  }
0x47: {  	[tilespmem:s11], [sflag:$0x1] =	stream.indirect.gather [hbm4b:s5+s23], $0x20, s6, s23, $0xb8;
	[tilespmem:$0x1D800] =	vst v63  }
0x48: {  	_ = 	snop  }
0x49: {  	[tilespmem:s25], [sflag:$0x2] =	stream.indirect.gather [hbm4b:s5+s23], $0x20, s23, s23, $0xb8;
	[tilespmem:$0x1D800] =	vst v63  }
.LBB2_4:
0x4a: {  	_ =	swait.ge [sflag:s26], $0x1000  }
0x4b: {  	p0 =	seq.s32 s6, $0x0;
	[sflag:s26] =	ssyncset.done $0x0  }
0x4c: {  	s7 =	simm.s32 @!p0 $0x3;
	[sflag:s26] =	ssyncadd.s32 $0xFFFFF000  }
0x4d: {  	_ =	swait.ge @!p0 [sflag:s7], $0x2000  }
0x4e: {  	[sflag:s7] =	ssyncset.done @!p0 $0x0  }
0x4f: {  	s11 =	simm.s32 $0x0;
	[sflag:s7] =	ssyncadd.s32 @!p0 $0xFFFFE000  }
0x50: {  	v1 =	vld [tilespmem:s11+$0xA000];
	_ =	sdelay $0x4  }
0x51: {  	s8 =	simm.s32 $0xC040;
	v2 =	vunpack.i.l.bf16.f32 v1  }
0x52: {  	v1 =	vunpack.i.u.bf16.f32 v1;
	[tilespmem:s8+$0xFFFFFFC0] =	vst v2  }
0x53: {  	[tilespmem:s8+$0xFFFFFFD0] =	vst v1  }
0x54: {  	v1 =	vld [tilespmem:s11+$0xA010];
	_ =	sdelay $0x4  }
0x55: {  	v2 =	vunpack.i.l.bf16.f32 v1  }
0x56: {  	v1 =	vunpack.i.u.bf16.f32 v1;
	[tilespmem:s8+$0xFFFFFFE0] =	vst v2  }
0x57: {  	[tilespmem:s8+$0xFFFFFFF0] =	vst v1  }
0x58: {  	v1 =	vld [tilespmem:s11+$0xA020];
	_ =	sdelay $0x4  }
0x59: {  	v2 =	vunpack.i.u.bf16.f32 v1  }
0x5a: {  	v1 =	vunpack.i.l.bf16.f32 v1;
	[tilespmem:s8+$0x10] =	vst v2  }
0x5b: {  	[tilespmem:s8+$0x0] =	vst v1  }
0x5c: {  	v1 =	vld [tilespmem:s11+$0xA030];
	_ =	sdelay $0x4  }
0x5d: {  	v2 =	vunpack.i.l.bf16.f32 v1  }
0x5e: {  	v1 =	vunpack.i.u.bf16.f32 v1;
	[tilespmem:s8+$0x20] =	vst v2  }
0x5f: {  	s10 =	simm.s32 $0x40;
	[tilespmem:s8+$0x30] =	vst v1  }
0x60: {  	v1 =	vld [tilespmem:s10+$0xA000]  }
0x61: {  	s7 =	sshll.u32 s6, $0xA;
	s11 =	simm.s32 $0x200  }
.LBB2_5:
0x62: {  	p1 =	sne.s32 s11, $0x3F00;
	_ =	sdelay $0x2  }
0x63: {  	s8 =	sadd.s32 $0x80, s8;
	v2 =	vunpack.i.l.bf16.f32 v1  }
0x64: {  	v1 =	vunpack.i.u.bf16.f32 v1;
	[tilespmem:s8+$0xFFFFFFC0] =	vst v2  }
0x65: {  	[tilespmem:s8+$0xFFFFFFD0] =	vst v1  }
0x66: {  	v1 =	vld [tilespmem:s10+$0xA010];
	_ =	sdelay $0x4  }
0x67: {  	v2 =	vunpack.i.l.bf16.f32 v1  }
0x68: {  	v1 =	vunpack.i.u.bf16.f32 v1;
	[tilespmem:s8+$0xFFFFFFE0] =	vst v2  }
0x69: {  	[tilespmem:s8+$0xFFFFFFF0] =	vst v1  }
0x6a: {  	v1 =	vld [tilespmem:s10+$0xA020];
	_ =	sdelay $0x4  }
0x6b: {  	v2 =	vunpack.i.u.bf16.f32 v1;
	v1 =	vunpack.i.l.bf16.f32 v1  }
0x6c: {  	[tilespmem:s8+$0x10] =	vst v2  }
0x6d: {  	[tilespmem:s8+$0x0] =	vst v1  }
0x6e: {  	v1 =	vld [tilespmem:s10+$0xA030];
	_ =	sdelay $0x4  }
.Ltmp1:
0x6f: {  	v2 =	vunpack.i.u.bf16.f32 v1;
	v1 =	vunpack.i.l.bf16.f32 v1;
	(pc) =	sbr.rel @p1 .LBB2_5-.Ltmp1, $4  }
0x70: {  	[tilespmem:s8+$0x20] =	vst v1  }
0x71: {  	s10 =	sshra.s32 s11, $0x2;
	[tilespmem:s8+$0x30] =	vst v2  }
0x72: {  	v1 =	vld [tilespmem:s10+$0xA000]  }
0x73: {  	s11 =	sadd.s32 $0x100, s11  }
0x74: {  	_ =	sdelay $0x2  }
0x75: {  	s8 =	sadd.s32 $0x80, s8;
	v2 =	vunpack.i.l.bf16.f32 v1  }
0x76: {  	v1 =	vunpack.i.u.bf16.f32 v1;
	[tilespmem:s8+$0xFFFFFFC0] =	vst v2  }
0x77: {  	[tilespmem:s8+$0xFFFFFFD0] =	vst v1  }
0x78: {  	v1 =	vld [tilespmem:s10+$0xA010];
	_ =	sdelay $0x4  }
0x79: {  	v2 =	vunpack.i.l.bf16.f32 v1  }
0x7a: {  	v1 =	vunpack.i.u.bf16.f32 v1;
	[tilespmem:s8+$0xFFFFFFE0] =	vst v2  }
0x7b: {  	[tilespmem:s8+$0xFFFFFFF0] =	vst v1  }
0x7c: {  	v1 =	vld [tilespmem:s10+$0xA020];
	_ =	sdelay $0x4  }
0x7d: {  	v2 =	vunpack.i.u.bf16.f32 v1  }
0x7e: {  	v1 =	vunpack.i.l.bf16.f32 v1;
	[tilespmem:s8+$0x10] =	vst v2  }
0x7f: {  	[tilespmem:s8+$0x0] =	vst v1  }
0x80: {  	v1 =	vld [tilespmem:s10+$0xA030];
	_ =	sdelay $0x4  }
0x81: {  	p1 =	seq.s32 s6, $0x4F;
	v2 =	vunpack.i.l.bf16.f32 v1  }
0x82: {  	s11 =	simm.s32 @!p1 $0xA000;
	s10 =	sshrl.u32 @!p1 s7, $0x2;
	v1 =	vunpack.i.u.bf16.f32 v1;
	[tilespmem:s8+$0x20] =	vst v2  }
0x83: {  	s7 =	sshrl.u32 s7, $0x2;
	[tilespmem:s8+$0x30] =	vst v1;
	s8 =	sadd.s32 @!p1 $0x100, s10;
	s10 =	simm.s32 @!p1 $0x80  }
0x84: {  	[tilespmem:s11], [sflag:$0x1] =	stream.indirect.gather @!p1 [hbm4b:s5+s10], $0x20, s8, s10, $0xb8;
	[tilespmem:$0x1D800] =	vst v63  }
0x85: {  	s10 =	sadd.s32 $0x5000, s7  }
0x86: {  	[spmem:s2] =	stream.indirect.scatter.add.f32 [tilespmem:s19], [sflag:$0x5], $0x8, s10, s23, $0xb8;
	[tilespmem:$0x1D800] =	vst v63  }
0x87: {  	_ = 	snop  }
0x88: {  	[spmem:s3] =	stream.indirect.scatter.add.f32 [tilespmem:s28], [sflag:$0x3], $0x40, s10, s23, $0xb8;
	[tilespmem:$0x1D800] =	vst v63  }
0x89: {  	_ =	swait.ge [sflag:s29], $0x1000  }
0x8a: {  	[sflag:s29] =	ssyncset.done $0x0  }
0x8b: {  	s8 =	simm.s32 @!p0 $0x4;
	[sflag:s29] =	ssyncadd.s32 $0xFFFFF000  }
0x8c: {  	_ =	swait.ge @!p0 [sflag:s8], $0x2000  }
0x8d: {  	[sflag:s8] =	ssyncset.done @!p0 $0x0  }
0x8e: {  	s11 =	simm.s32 $0x0;
	[sflag:s8] =	ssyncadd.s32 @!p0 $0xFFFFE000  }
0x8f: {  	v1 =	vld [tilespmem:s11+$0xB000];
	_ =	sdelay $0x4  }
0x90: {  	s8 =	simm.s32 $0xE040;
	v2 =	vunpack.i.l.bf16.f32 v1  }
0x91: {  	v1 =	vunpack.i.u.bf16.f32 v1;
	[tilespmem:s8+$0xFFFFFFC0] =	vst v2  }
0x92: {  	[tilespmem:s8+$0xFFFFFFD0] =	vst v1  }
0x93: {  	v1 =	vld [tilespmem:s11+$0xB010];
	_ =	sdelay $0x4  }
0x94: {  	v2 =	vunpack.i.l.bf16.f32 v1  }
0x95: {  	v1 =	vunpack.i.u.bf16.f32 v1;
	[tilespmem:s8+$0xFFFFFFE0] =	vst v2  }
0x96: {  	[tilespmem:s8+$0xFFFFFFF0] =	vst v1  }
0x97: {  	v1 =	vld [tilespmem:s11+$0xB020];
	_ =	sdelay $0x4  }
0x98: {  	v2 =	vunpack.i.u.bf16.f32 v1  }
0x99: {  	v1 =	vunpack.i.l.bf16.f32 v1;
	[tilespmem:s8+$0x10] =	vst v2  }
0x9a: {  	[tilespmem:s8+$0x0] =	vst v1  }
0x9b: {  	v1 =	vld [tilespmem:s11+$0xB030];
	_ =	sdelay $0x4  }
0x9c: {  	v2 =	vunpack.i.l.bf16.f32 v1  }
0x9d: {  	v1 =	vunpack.i.u.bf16.f32 v1;
	[tilespmem:s8+$0x20] =	vst v2  }
0x9e: {  	s10 =	simm.s32 $0x40;
	[tilespmem:s8+$0x30] =	vst v1  }
0x9f: {  	v1 =	vld [tilespmem:s10+$0xB000]  }
0xa0: {  	s11 =	simm.s32 $0x200  }
.LBB2_7:
0xa1: {  	p0 =	sne.s32 s11, $0x3F00;
	_ =	sdelay $0x2  }
0xa2: {  	s8 =	sadd.s32 $0x80, s8;
	v2 =	vunpack.i.l.bf16.f32 v1  }
0xa3: {  	v1 =	vunpack.i.u.bf16.f32 v1;
	[tilespmem:s8+$0xFFFFFFC0] =	vst v2  }
0xa4: {  	[tilespmem:s8+$0xFFFFFFD0] =	vst v1  }
0xa5: {  	v1 =	vld [tilespmem:s10+$0xB010];
	_ =	sdelay $0x4  }
0xa6: {  	v2 =	vunpack.i.l.bf16.f32 v1  }
0xa7: {  	v1 =	vunpack.i.u.bf16.f32 v1;
	[tilespmem:s8+$0xFFFFFFE0] =	vst v2  }
0xa8: {  	[tilespmem:s8+$0xFFFFFFF0] =	vst v1  }
0xa9: {  	v1 =	vld [tilespmem:s10+$0xB020];
	_ =	sdelay $0x4  }
0xaa: {  	v2 =	vunpack.i.u.bf16.f32 v1;
	v1 =	vunpack.i.l.bf16.f32 v1  }
0xab: {  	[tilespmem:s8+$0x10] =	vst v2  }
0xac: {  	[tilespmem:s8+$0x0] =	vst v1  }
0xad: {  	v1 =	vld [tilespmem:s10+$0xB030];
	_ =	sdelay $0x4  }
.Ltmp2:
0xae: {  	v2 =	vunpack.i.u.bf16.f32 v1;
	v1 =	vunpack.i.l.bf16.f32 v1;
	(pc) =	sbr.rel @p0 .LBB2_7-.Ltmp2, $4  }
0xaf: {  	[tilespmem:s8+$0x20] =	vst v1  }
0xb0: {  	s10 =	sshra.s32 s11, $0x2;
	[tilespmem:s8+$0x30] =	vst v2  }
0xb1: {  	v1 =	vld [tilespmem:s10+$0xB000]  }
0xb2: {  	s11 =	sadd.s32 $0x100, s11  }
0xb3: {  	_ =	sdelay $0x2  }
0xb4: {  	s8 =	sadd.s32 $0x80, s8;
	v2 =	vunpack.i.l.bf16.f32 v1  }
0xb5: {  	v1 =	vunpack.i.u.bf16.f32 v1;
	[tilespmem:s8+$0xFFFFFFC0] =	vst v2  }
0xb6: {  	[tilespmem:s8+$0xFFFFFFD0] =	vst v1  }
0xb7: {  	v1 =	vld [tilespmem:s10+$0xB010];
	_ =	sdelay $0x4  }
0xb8: {  	v2 =	vunpack.i.l.bf16.f32 v1  }
0xb9: {  	v1 =	vunpack.i.u.bf16.f32 v1;
	[tilespmem:s8+$0xFFFFFFE0] =	vst v2  }
0xba: {  	[tilespmem:s8+$0xFFFFFFF0] =	vst v1  }
0xbb: {  	v1 =	vld [tilespmem:s10+$0xB020];
	_ =	sdelay $0x4  }
0xbc: {  	v2 =	vunpack.i.u.bf16.f32 v1  }
0xbd: {  	v1 =	vunpack.i.l.bf16.f32 v1;
	[tilespmem:s8+$0x10] =	vst v2  }
0xbe: {  	[tilespmem:s8+$0x0] =	vst v1  }
0xbf: {  	v1 =	vld [tilespmem:s10+$0xB030];
	_ =	sdelay $0x2  }
.Ltmp3:
0xc0: {  	_ = 	snop;
	(pc) =	sbr.rel @p1 .LBB2_10-.Ltmp3, $4  }
0xc1: {  	_ = 	snop  }
0xc2: {  	v2 =	vunpack.i.l.bf16.f32 v1  }
0xc3: {  	v1 =	vunpack.i.u.bf16.f32 v1;
	[tilespmem:s8+$0x20] =	vst v2  }
0xc4: {  	[tilespmem:s8+$0x30] =	vst v1;
	s8 =	sadd.s32 $0x5080, s7  }
0xc5: {  	s7 =	sadd.s32 $0x180, s7  }
0xc6: {  	[tilespmem:s25], [sflag:$0x2] =	stream.indirect.gather [hbm4b:s5+s23], $0x20, s7, s23, $0xb8;
	[tilespmem:$0x1D800] =	vst v63  }
.Ltmp4:
0xc7: {  	_ = 	snop;
	(pc) =	sbr.rel .LBB2_4-.Ltmp4, $4  }
0xc8: {  	_ = 	snop  }
0xc9: {  	[spmem:s2] =	stream.indirect.scatter.add.f32 [tilespmem:s19], [sflag:$0x5], $0x8, s8, s23, $0xb8;
	[tilespmem:$0x1D800] =	vst v63  }
0xca: {  	s6 =	sadd.s32 $0x1, s6  }
0xcb: {  	[spmem:s3] =	stream.indirect.scatter.add.f32 [tilespmem:s30], [sflag:$0x4], $0x40, s8, s23, $0xb8;
	[tilespmem:$0x1D800] =	vst v63  }
.LBB2_10:
0xcc: {  	[spmem:s2] =	stream.indirect.scatter.add.f32 [tilespmem:s19], [sflag:$0x5], $0x8, s8, s23, $0xb8;
	[tilespmem:$0x1D800] =	vst v63  }
0xcd: {  	_ = 	snop  }
0xce: {  	[spmem:s3] =	stream.indirect.scatter.add.f32 [tilespmem:s30], [sflag:$0x4], $0x40, s8, s23, $0xb8;
	[tilespmem:$0x1D800] =	vst v63  }
0xcf: {  	_ =	swait.ge [sflag:s31], $0x2000  }
0xd0: {  	[sflag:s31] =	ssyncset.done $0x0  }
0xd1: {  	[sflag:s31] =	ssyncadd.s32 $0xFFFFE000  }
0xd2: {  	_ =	swait.ge [sflag:s0], $0x2000  }
0xd3: {  	[sflag:s0] =	ssyncset.done $0x0  }
0xd4: {  	[sflag:s0] =	ssyncadd.s32 $0xFFFFE000  }
0xd5: {  	_ =	swait.ge [sflag:s22], $0x400  }
0xd6: {  	s6 =	simm.s32 $0x9F;
	[sflag:s22] =	ssyncset.done $0x0  }
.LBB2_11:
0xd7: {  	p0 =	sne.s32 s6, $0x1;
	s6 =	sadd.s32 $0xFFFFFFFF, s6;
	[sflag:s22] =	ssyncadd.s32 $0xFFFFFC00  }
.Ltmp5:
0xd8: {  	(pc) =	sbr.rel @p0 .LBB2_11-.Ltmp5, $3  }
0xd9: {  	_ =	sdelay $0x1  }
0xda: {  	_ =	swait.ge [sflag:s22], $0x400  }
0xdb: {  	[sflag:s22] =	ssyncset.done $0x0  }
0xdc: {  	[sflag:s22] =	ssyncadd.s32 $0xFFFFFC00  }
0xdd: {  	s6 =	sshrl.u32 s9, $0x3;
	[bflag:$0x0] =	sbarrier.arrive $0xFFFF  }
0xde: {  	[hbm:s16], [sflag:s24] =	dma.local [spmem:s6], $0x1400  }
0xdf: {  	s4 =	sadd.s32 $0x1, s4;
	_ =	swait.ge [sflag:s20], $0x1400  }
0xe0: {  	p0 =	sne.s32 s4, s18;
	[sflag:s20] =	ssyncset.done $0x0  }
.Ltmp6:
0xe1: {  	[sflag:s20] =	ssyncadd.s32 $0xFFFFEC00;
	(pc) =	sbr.rel @p0 .LBB2_1-.Ltmp6, $4  }
0xe2: {  	[hbm:s17], [sflag:s24] =	dma.local [spmem:s1], $0x280  }
0xe3: {  	_ =	swait.ge [sflag:s20], $0x280  }
0xe4: {  	[sflag:s20] =	ssyncset.done $0x0  }
0xe5: {  	[sflag:s20] =	ssyncadd.s32 $0xFFFFFD80  }
0xe6: {  	_ =	sfence.sel $0x180000  }
0xe7: {  	[bflag:$0x0] =	sbarrier.arrive $0xFFFF  }
0xe8: {  	_ =	strace $0x9000004A  }
0xe9: {  	s0 =	stileid.u32;
	[bflag:$0x2] =	sbarrier.arrive $0xFFFF  }
0xea: {  	p0 =	sne.s32 s0, $0x0;
	s0 =	rddreg [dreg:$0x3]  }
0xeb: {  	s0 =	sadd.s32 @!p0 $0x100000, s0  }
0xec: {  	[sflag:s0] =	ssyncadd.tile.s32 @!p0 $0x1;
	_ =	shalt  }
.Lfunc_end2:
_tile_overlayer_lowered:
.L_overlay_start_2:
0xed: {  	(tag) =	ssettag $0x2  }
0xee: {  	s0 =	rddreg [dreg:$0x0];
	s2 =	stileid.u32  }
0xef: {  	s1 =	rddreg [dreg:$0x1];
	p0 =	sne.s32 s2, $0x0  }
0xf0: {  	s3 =	rddreg [dreg:$0x2];
	[bflag:$0x3] =	sbarrier.arrive $0xFFFF;
	s2 =	simm.s32 @!p0 $0x1C06  }
0xf1: {  	[timem:s3], [sflag:s2] =	dma.local @!p0 [hbm:s0], s1  }
0xf2: {  	s0 =	simm.s32 @!p0 $0x6  }
0xf3: {  	_ =	swait.ge @!p0 [sflag:s0], s1  }
0xf4: {  	s1 =	ssub.s32 @!p0 $0x0, s1;
	[sflag:s0] =	ssyncset.done @!p0 $0x0  }
0xf5: {  	[sflag:s0] =	ssyncadd.s32 @!p0 s1  }
0xf6: {  	[bflag:$0x3] =	sbarrier.arrive $0xFFFF  }
0xf7: {  	_ =	shalt  }

</sc_bundles>
